<compile_context>
chip_gen: v7x
topology: tpu7x:2x2x1
jax: 0.10.2.dev20260603
libtpu: 0.0.44.dev20260713+nightly
codegen_flags: <defaults>
</compile_context>

<pallas_src>
import functools

import jax
import jax.numpy as jnp
from jax import lax
from jax.experimental import pallas as pl
from jax.experimental.pallas import tpu as pltpu
from jax.experimental.pallas import tpu_sc as plsc

N_ROWS = 320000
N_SEG = 10000
HALF = N_SEG // 2
ACC_ROWS = 5040
D = 128
W = 128
N_WIN = N_ROWS // W
CHUNK = 312
TAIL = ACC_ROWS - 16 * CHUNK
OUT_TAIL = HALF - 16 * CHUNK
NBUF = 4
MAXSTEPS = (N_WIN + 15) // 16
N_GROUPS = (MAXSTEPS + 2 + NBUF - 1) // NBUF


def _sc_body(src_hbm, batch_hbm, zeros_hbm, rsplit_hbm, out_hbm,
             rbuf0, rbuf1, rbuf2, rbuf3, ids0, ids1, ids2, ids3,
             rvmem, acc, lsem0, lsem1, lsem2, lsem3,
             ssem0, ssem1, ssem2, ssem3):
    c = lax.axis_index("c")
    s = lax.axis_index("s")

    ids = [ids0, ids1, ids2, ids3]
    rbuf = [rbuf0, rbuf1, rbuf2, rbuf3]
    lsem = [lsem0, lsem1, lsem2, lsem3]
    ssem = [ssem0, ssem1, ssem2, ssem3]

    pltpu.sync_copy(rsplit_hbm, rvmem)
    rstar = rvmem[pl.ds(0, 16)][0]
    wlo = jnp.where(c == 0, 0, rstar // W)
    whi = jnp.where(c == 0, (rstar + W - 1) // W, N_WIN)

    def start_load(k, b):
        win = wlo + s + k * 16

        @pl.when(win < whi)
        def _():
            pltpu.async_copy(batch_hbm.at[pl.ds(c * N_ROWS + win * W, W)],
                             ids[b], lsem[b])
            pltpu.async_copy(src_hbm.at[pl.ds(win * W, W)], rbuf[b], lsem[b])

    for b in range(2):
        start_load(b, b)

    pltpu.sync_copy(zeros_hbm.at[pl.ds(0, CHUNK)],
                    acc.at[pl.ds(s * CHUNK, CHUNK)])

    @pl.when(s == 15)
    def _():
        pltpu.sync_copy(zeros_hbm.at[pl.ds(0, TAIL)],
                        acc.at[pl.ds(16 * CHUNK, TAIL)])

    plsc.subcore_barrier()

    def group(g, carry):
        base = g * NBUF
        for j in range(NBUF):
            k = base + j
            bc = j
            bd = (j + 2) % NBUF
            win = wlo + s + k * 16
            win_d = wlo + s + (k - 2) * 16

            @pl.when((k >= 2) & (win_d < whi))
            def _(bd=bd):
                pltpu.make_async_copy(rbuf[bd], acc.at[ids[bd]],
                                      ssem[bd]).wait()

            start_load(k + 2, bd)

            @pl.when(win < whi)
            def _(bc=bc):
                pltpu.make_async_copy(batch_hbm.at[pl.ds(0, W)], ids[bc],
                                      lsem[bc]).wait()
                pltpu.make_async_copy(src_hbm.at[pl.ds(0, W)], rbuf[bc],
                                      lsem[bc]).wait()
                pltpu.async_copy(rbuf[bc], acc.at[ids[bc]], ssem[bc],
                                 add=True)
        return carry

    lax.fori_loop(0, N_GROUPS, group, 0)

    plsc.subcore_barrier()
    pltpu.sync_copy(acc.at[pl.ds(s * CHUNK, CHUNK)],
                    out_hbm.at[pl.ds(c * HALF + s * CHUNK, CHUNK)])

    @pl.when(s == 15)
    def _():
        pltpu.sync_copy(acc.at[pl.ds(16 * CHUNK, OUT_TAIL)],
                        out_hbm.at[pl.ds(c * HALF + 16 * CHUNK, OUT_TAIL)])


@functools.partial(
    pl.kernel,
    out_type=jax.ShapeDtypeStruct((N_SEG, D), jnp.float32),
    mesh=plsc.VectorSubcoreMesh(core_axis_name="c", subcore_axis_name="s"),
    scratch_types=(
        [pltpu.VMEM((W, D), jnp.float32)] * NBUF
        + [pltpu.VMEM((W,), jnp.int32)] * NBUF
        + [pltpu.VMEM((16,), jnp.int32)]
        + [pltpu.VMEM_SHARED((ACC_ROWS, D), jnp.float32)]
        + [pltpu.SemaphoreType.DMA] * (2 * NBUF)
    ),
)
def _sc_scatter_add(*refs):
    _sc_body(*refs)


def kernel(src, batch, dim_size):
    batch32 = jnp.asarray(batch, jnp.int32)
    ids_sc0 = jnp.where(batch32 < HALF, batch32, HALF)
    ids_sc1 = jnp.where(batch32 >= HALF, batch32 - HALF, HALF)
    ids_cat = jnp.concatenate([ids_sc0, ids_sc1])
    rsplit = jnp.full((16,), jnp.sum(batch32 < HALF, dtype=jnp.int32))
    zeros = jnp.zeros((CHUNK, D), jnp.float32)
    return _sc_scatter_add(src, ids_cat, zeros, rsplit)

# --- scband reference (transcript-rebuilt; emitter-appended) ---
"""Pipeline reference for scband-batch-aggregation-56805237457288 (READ-ONLY COPY).

The authoritative reference and input builder live on the scoring server;
editing this copy changes nothing except your own understanding.
"""

import jax, jax.numpy as jnp
import numpy as np


def setup_inputs(seed: int = 0) -> dict:
    key = jax.random.key(seed)
    k1, k2 = jax.random.split(key)
    src = jax.random.normal(k1, (320000, 128), dtype=jnp.float32)
    batch = jnp.sort(jax.random.randint(k2, (320000,), 0, 10000, dtype=jnp.int64))
    return {"src": src, "batch": batch, "dim_size": 10000}


def reference(src, batch, dim_size):
    # F.batch_add: scatter-add of src rows into dim_size output rows keyed by batch
    out = jax.ops.segment_sum(src, batch, num_segments=10000)
    out = out + jnp.asarray(dim_size, out.dtype) * 0
    return out

if __name__ == "__main__":
    import jax
    _d = setup_inputs()
    print(jax.jit(kernel)(*tuple(_d.values())))

</pallas_src>

<mosaic_0001>
#map = affine_map<(d0, d1) -> (0, 0)>
#map1 = affine_map<(d0, d1) -> (0)>
module attributes {stable_mosaic.version = 14 : i64} {
  func.func @_sc_scatter_add(%arg0: i32, %arg1: i32, %arg2: memref<320000x128xf32, #tpu.memory_space<hbm>>, %arg3: memref<640000xi32, #tpu.memory_space<hbm>>, %arg4: memref<312x128xf32, #tpu.memory_space<hbm>>, %arg5: memref<16xi32, #tpu.memory_space<hbm>>, %arg6: memref<10000x128xf32, #tpu.memory_space<hbm>>, %arg7: memref<128x128xf32, #tpu.memory_space<vmem>>, %arg8: memref<128x128xf32, #tpu.memory_space<vmem>>, %arg9: memref<128x128xf32, #tpu.memory_space<vmem>>, %arg10: memref<128x128xf32, #tpu.memory_space<vmem>>, %arg11: memref<128xi32, #tpu.memory_space<vmem>>, %arg12: memref<128xi32, #tpu.memory_space<vmem>>, %arg13: memref<128xi32, #tpu.memory_space<vmem>>, %arg14: memref<128xi32, #tpu.memory_space<vmem>>, %arg15: memref<16xi32, #tpu.memory_space<vmem>>, %arg16: memref<5040x128xf32, #tpu.memory_space<vmem_shared>>, %arg17: memref<!tpu.dma_semaphore, #tpu.memory_space<semaphore_mem>>, %arg18: memref<!tpu.dma_semaphore, #tpu.memory_space<semaphore_mem>>, %arg19: memref<!tpu.dma_semaphore, #tpu.memory_space<semaphore_mem>>, %arg20: memref<!tpu.dma_semaphore, #tpu.memory_space<semaphore_mem>>, %arg21: memref<!tpu.dma_semaphore, #tpu.memory_space<semaphore_mem>>, %arg22: memref<!tpu.dma_semaphore, #tpu.memory_space<semaphore_mem>>, %arg23: memref<!tpu.dma_semaphore, #tpu.memory_space<semaphore_mem>>, %arg24: memref<!tpu.dma_semaphore, #tpu.memory_space<semaphore_mem>>) attributes {dimension_semantics = [#tpu.dimension_semantics<core_parallel>, #tpu.dimension_semantics<subcore_parallel>], iteration_bounds = array<i64: 2, 16>, scalar_prefetch = 0 : i64, scratch_operands = 18 : i64, tpu.core_type = #tpu.core_type<sc_vector_subcore>, window_params = [{transform_indices = #map}, {transform_indices = #map1}, {transform_indices = #map}, {transform_indices = #map1}, {transform_indices = #map}]} {
    "tpu.region"() ({
      %run_scoped3A = tpu.sem_alloc : memref<!tpu.dma_semaphore, #tpu.memory_space<semaphore_mem>>
      tpu.enqueue_dma source(%arg5 : memref<16xi32, #tpu.memory_space<hbm>>) target(%arg15 : memref<16xi32, #tpu.memory_space<vmem>>) target_semaphore(%run_scoped3A : memref<!tpu.dma_semaphore, #tpu.memory_space<semaphore_mem>>)
      tpu.wait_dma2 semaphore(%run_scoped3A : memref<!tpu.dma_semaphore, #tpu.memory_space<semaphore_mem>>) src(%arg5 : memref<16xi32, #tpu.memory_space<hbm>>) dst(%arg15 : memref<16xi32, #tpu.memory_space<vmem>>)
      tpu.yield
    }) : () -> ()
    %get3A = arith.constant 0 : index
    %get3A_0 = tpu.vector_load %arg15[%get3A] {strides = array<i32>} : memref<16xi32, #tpu.memory_space<vmem>>, vector<16xi32>,
    %get3A_1 = vector.shape_cast %get3A_0 : vector<16xi32> to vector<16xi32>
    %slice3A = vector.extract_strided_slice %get3A_1 {offsets = [0], sizes = [1], strides = [1]} : vector<16xi32> to vector<1xi32>
    %squeeze3A = vector.extract %slice3A[0] : i32 from vector<1xi32>
    %eq3A = arith.constant 0 : i32
    %eq3A_2 = arith.cmpi eq, %arg0, %eq3A : i32
    %jit3A = arith.constant 128 : i32
    %div3A = arith.divsi %squeeze3A, %jit3A : i32
    %sign3A = arith.constant 0 : i32
    %sign3A_3 = arith.cmpi sgt, %squeeze3A, %sign3A : i32
    %sign3A_4 = arith.extui %sign3A_3 : i1 to i32
    %sign3A_5 = arith.constant 0 : i32
    %sign3A_6 = arith.cmpi slt, %squeeze3A, %sign3A_5 : i32
    %sign3A_7 = arith.extui %sign3A_6 : i1 to i32
    %sign3A_8 = arith.subi %sign3A_4, %sign3A_7 : i32
    %sign3A_9 = arith.constant 0 : i32
    %sign3A_10 = arith.cmpi sgt, %jit3A, %sign3A_9 : i32
    %sign3A_11 = arith.extui %sign3A_10 : i1 to i32
    %sign3A_12 = arith.constant 0 : i32
    %sign3A_13 = arith.cmpi slt, %jit3A, %sign3A_12 : i32
    %sign3A_14 = arith.extui %sign3A_13 : i1 to i32
    %sign3A_15 = arith.subi %sign3A_11, %sign3A_14 : i32
    %ne3A = arith.cmpi ne, %sign3A_8, %sign3A_15 : i32
    %rem3A = arith.remsi %squeeze3A, %jit3A : i32
    %ne3A_16 = arith.constant 0 : i32
    %ne3A_17 = arith.cmpi ne, %rem3A, %ne3A_16 : i32
    %and3A = arith.andi %ne3A, %ne3A_17 : i1
    %sub3A = arith.constant 1 : i32
    %sub3A_18 = arith.subi %div3A, %sub3A : i32
    %select_n3A = arith.select %and3A, %sub3A_18, %div3A : i32
    %jit3A_19 = arith.constant 0 : i32
    %select_n3A_20 = arith.select %eq3A_2, %jit3A_19, %select_n3A : i32
    %eq3A_21 = arith.constant 0 : i32
    %eq3A_22 = arith.cmpi eq, %arg0, %eq3A_21 : i32
    %add3A = arith.constant 128 : i32
    %add3A_23 = arith.addi %squeeze3A, %add3A : i32
    %sub3A_24 = arith.constant 1 : i32
    %sub3A_25 = arith.subi %add3A_23, %sub3A_24 : i32
    %jit3A_26 = arith.constant 128 : i32
    %div3A_27 = arith.divsi %sub3A_25, %jit3A_26 : i32
    %sign3A_28 = arith.constant 0 : i32
    %sign3A_29 = arith.cmpi sgt, %sub3A_25, %sign3A_28 : i32
    %sign3A_30 = arith.extui %sign3A_29 : i1 to i32
    %sign3A_31 = arith.constant 0 : i32
    %sign3A_32 = arith.cmpi slt, %sub3A_25, %sign3A_31 : i32
    %sign3A_33 = arith.extui %sign3A_32 : i1 to i32
    %sign3A_34 = arith.subi %sign3A_30, %sign3A_33 : i32
    %sign3A_35 = arith.constant 0 : i32
    %sign3A_36 = arith.cmpi sgt, %jit3A_26, %sign3A_35 : i32
    %sign3A_37 = arith.extui %sign3A_36 : i1 to i32
    %sign3A_38 = arith.constant 0 : i32
    %sign3A_39 = arith.cmpi slt, %jit3A_26, %sign3A_38 : i32
    %sign3A_40 = arith.extui %sign3A_39 : i1 to i32
    %sign3A_41 = arith.subi %sign3A_37, %sign3A_40 : i32
    %ne3A_42 = arith.cmpi ne, %sign3A_34, %sign3A_41 : i32
    %rem3A_43 = arith.remsi %sub3A_25, %jit3A_26 : i32
    %ne3A_44 = arith.constant 0 : i32
    %ne3A_45 = arith.cmpi ne, %rem3A_43, %ne3A_44 : i32
    %and3A_46 = arith.andi %ne3A_42, %ne3A_45 : i1
    %sub3A_47 = arith.constant 1 : i32
    %sub3A_48 = arith.subi %div3A_27, %sub3A_47 : i32
    %select_n3A_49 = arith.select %and3A_46, %sub3A_48, %div3A_27 : i32
    %jit3A_50 = arith.constant 2500 : i32
    %select_n3A_51 = arith.select %eq3A_22, %select_n3A_49, %jit3A_50 : i32
    %add3A_52 = arith.addi %select_n3A_20, %arg1 : i32
    %add3A_53 = arith.constant 0 : i32
    %add3A_54 = arith.addi %add3A_52, %add3A_53 : i32
    %lt3A = arith.cmpi slt, %add3A_54, %select_n3A_51 : i32
    %convert_element_type3A = arith.extui %lt3A : i1 to i32
    %cond3A = arith.constant 0 : i32
    %cond3A_55 = arith.cmpi ne, %convert_element_type3A, %cond3A : i32
    scf.if %cond3A_55 {
      %mul3A_87 = arith.constant 320000 : i32
      %mul3A_88 = arith.muli %arg0, %mul3A_87 : i32
      %mul3A_89 = arith.constant 128 : i32
      %mul3A_90 = arith.muli %add3A_54, %mul3A_89 : i32
      %add3A_91 = arith.addi %mul3A_88, %mul3A_90 : i32
      %dma_start3A = tpu.memref_slice %arg3[%add3A_91] : memref<640000xi32, #tpu.memory_space<hbm>> -> memref<128xi32, #tpu.memory_space<hbm>>
      %dma_start3A_92 = tpu.memref_slice %arg3[%add3A_91] : memref<640000xi32, #tpu.memory_space<hbm>> -> memref<128xi32, #tpu.memory_space<hbm>>
      tpu.enqueue_dma source(%dma_start3A_92 : memref<128xi32, #tpu.memory_space<hbm>>) target(%arg11 : memref<128xi32, #tpu.memory_space<vmem>>) target_semaphore(%arg17 : memref<!tpu.dma_semaphore, #tpu.memory_space<semaphore_mem>>)
      %mul3A_93 = arith.constant 128 : i32
      %mul3A_94 = arith.muli %add3A_54, %mul3A_93 : i32
      %dma_start3A_95 = arith.constant 0 : i32
      %dma_start3A_96 = tpu.memref_slice %arg2[%mul3A_94, %dma_start3A_95] : memref<320000x128xf32, #tpu.memory_space<hbm>> -> memref<128x128xf32, #tpu.memory_space<hbm>>
      %dma_start3A_97 = arith.constant 0 : i32
      %dma_start3A_98 = tpu.memref_slice %arg2[%mul3A_94, %dma_start3A_97] : memref<320000x128xf32, #tpu.memory_space<hbm>> -> memref<128x128xf32, #tpu.memory_space<hbm>>
      tpu.enqueue_dma source(%dma_start3A_98 : memref<128x128xf32, #tpu.memory_space<hbm>>) target(%arg7 : memref<128x128xf32, #tpu.memory_space<vmem>>) target_semaphore(%arg17 : memref<!tpu.dma_semaphore, #tpu.memory_space<semaphore_mem>>)
    } else {
    }
    %add3A_56 = arith.addi %select_n3A_20, %arg1 : i32
    %add3A_57 = arith.constant 16 : i32
    %add3A_58 = arith.addi %add3A_56, %add3A_57 : i32
    %lt3A_59 = arith.cmpi slt, %add3A_58, %select_n3A_51 : i32
    %convert_element_type3A_60 = arith.extui %lt3A_59 : i1 to i32
    %cond3A_61 = arith.constant 0 : i32
    %cond3A_62 = arith.cmpi ne, %convert_element_type3A_60, %cond3A_61 : i32
    scf.if %cond3A_62 {
      %mul3A_87 = arith.constant 320000 : i32
      %mul3A_88 = arith.muli %arg0, %mul3A_87 : i32
      %mul3A_89 = arith.constant 128 : i32
      %mul3A_90 = arith.muli %add3A_58, %mul3A_89 : i32
      %add3A_91 = arith.addi %mul3A_88, %mul3A_90 : i32
      %dma_start3A = tpu.memref_slice %arg3[%add3A_91] : memref<640000xi32, #tpu.memory_space<hbm>> -> memref<128xi32, #tpu.memory_space<hbm>>
      %dma_start3A_92 = tpu.memref_slice %arg3[%add3A_91] : memref<640000xi32, #tpu.memory_space<hbm>> -> memref<128xi32, #tpu.memory_space<hbm>>
      tpu.enqueue_dma source(%dma_start3A_92 : memref<128xi32, #tpu.memory_space<hbm>>) target(%arg12 : memref<128xi32, #tpu.memory_space<vmem>>) target_semaphore(%arg18 : memref<!tpu.dma_semaphore, #tpu.memory_space<semaphore_mem>>)
      %mul3A_93 = arith.constant 128 : i32
      %mul3A_94 = arith.muli %add3A_58, %mul3A_93 : i32
      %dma_start3A_95 = arith.constant 0 : i32
      %dma_start3A_96 = tpu.memref_slice %arg2[%mul3A_94, %dma_start3A_95] : memref<320000x128xf32, #tpu.memory_space<hbm>> -> memref<128x128xf32, #tpu.memory_space<hbm>>
      %dma_start3A_97 = arith.constant 0 : i32
      %dma_start3A_98 = tpu.memref_slice %arg2[%mul3A_94, %dma_start3A_97] : memref<320000x128xf32, #tpu.memory_space<hbm>> -> memref<128x128xf32, #tpu.memory_space<hbm>>
      tpu.enqueue_dma source(%dma_start3A_98 : memref<128x128xf32, #tpu.memory_space<hbm>>) target(%arg8 : memref<128x128xf32, #tpu.memory_space<vmem>>) target_semaphore(%arg18 : memref<!tpu.dma_semaphore, #tpu.memory_space<semaphore_mem>>)
    } else {
    }
    %mul3A = arith.constant 312 : i32
    %mul3A_63 = arith.muli %arg1, %mul3A : i32
    "tpu.region"() ({
      %run_scoped3A = tpu.sem_alloc : memref<!tpu.dma_semaphore, #tpu.memory_space<semaphore_mem>>
      %dma_start3A = arith.constant 0 : i32
      %dma_start3A_87 = tpu.memref_slice %arg16[%mul3A_63, %dma_start3A] : memref<5040x128xf32, #tpu.memory_space<vmem_shared>> -> memref<312x128xf32, #tpu.memory_space<vmem_shared>>
      %dma_start3A_88 = arith.constant 0 : i32
      %dma_start3A_89 = arith.constant 0 : i32
      %dma_start3A_90 = tpu.memref_slice %arg4[%dma_start3A_88, %dma_start3A_89] : memref<312x128xf32, #tpu.memory_space<hbm>> -> memref<312x128xf32, #tpu.memory_space<hbm>>
      tpu.enqueue_dma source(%dma_start3A_90 : memref<312x128xf32, #tpu.memory_space<hbm>>) target(%dma_start3A_87 : memref<312x128xf32, #tpu.memory_space<vmem_shared>>) target_semaphore(%run_scoped3A : memref<!tpu.dma_semaphore, #tpu.memory_space<semaphore_mem>>)
      %dma_wait3A = arith.constant 0 : i32
      %dma_wait3A_91 = tpu.memref_slice %arg16[%mul3A_63, %dma_wait3A] : memref<5040x128xf32, #tpu.memory_space<vmem_shared>> -> memref<312x128xf32, #tpu.memory_space<vmem_shared>>
      %dma_wait3A_92 = arith.constant 0 : i32
      %dma_wait3A_93 = arith.constant 0 : i32
      %dma_wait3A_94 = tpu.memref_slice %arg4[%dma_wait3A_92, %dma_wait3A_93] : memref<312x128xf32, #tpu.memory_space<hbm>> -> memref<312x128xf32, #tpu.memory_space<hbm>>
      tpu.wait_dma2 semaphore(%run_scoped3A : memref<!tpu.dma_semaphore, #tpu.memory_space<semaphore_mem>>) src(%dma_wait3A_94 : memref<312x128xf32, #tpu.memory_space<hbm>>) dst(%dma_wait3A_91 : memref<312x128xf32, #tpu.memory_space<vmem_shared>>)
      tpu.yield
    }) : () -> ()
    %eq3A_64 = arith.constant 15 : i32
    %eq3A_65 = arith.cmpi eq, %arg1, %eq3A_64 : i32
    %convert_element_type3A_66 = arith.extui %eq3A_65 : i1 to i32
    %cond3A_67 = arith.constant 0 : i32
    %cond3A_68 = arith.cmpi ne, %convert_element_type3A_66, %cond3A_67 : i32
    scf.if %cond3A_68 {
      "tpu.region"() ({
        %run_scoped3A = tpu.sem_alloc : memref<!tpu.dma_semaphore, #tpu.memory_space<semaphore_mem>>
        %dma_start3A = arith.constant 4992 : i32
        %dma_start3A_87 = arith.constant 0 : i32
        %dma_start3A_88 = tpu.memref_slice %arg16[%dma_start3A, %dma_start3A_87] : memref<5040x128xf32, #tpu.memory_space<vmem_shared>> -> memref<48x128xf32, #tpu.memory_space<vmem_shared>>
        %dma_start3A_89 = arith.constant 0 : i32
        %dma_start3A_90 = arith.constant 0 : i32
        %dma_start3A_91 = tpu.memref_slice %arg4[%dma_start3A_89, %dma_start3A_90] : memref<312x128xf32, #tpu.memory_space<hbm>> -> memref<48x128xf32, #tpu.memory_space<hbm>>
        tpu.enqueue_dma source(%dma_start3A_91 : memref<48x128xf32, #tpu.memory_space<hbm>>) target(%dma_start3A_88 : memref<48x128xf32, #tpu.memory_space<vmem_shared>>) target_semaphore(%run_scoped3A : memref<!tpu.dma_semaphore, #tpu.memory_space<semaphore_mem>>)
        %dma_wait3A = arith.constant 4992 : i32
        %dma_wait3A_92 = arith.constant 0 : i32
        %dma_wait3A_93 = tpu.memref_slice %arg16[%dma_wait3A, %dma_wait3A_92] : memref<5040x128xf32, #tpu.memory_space<vmem_shared>> -> memref<48x128xf32, #tpu.memory_space<vmem_shared>>
        %dma_wait3A_94 = arith.constant 0 : i32
        %dma_wait3A_95 = arith.constant 0 : i32
        %dma_wait3A_96 = tpu.memref_slice %arg4[%dma_wait3A_94, %dma_wait3A_95] : memref<312x128xf32, #tpu.memory_space<hbm>> -> memref<48x128xf32, #tpu.memory_space<hbm>>
        tpu.wait_dma2 semaphore(%run_scoped3A : memref<!tpu.dma_semaphore, #tpu.memory_space<semaphore_mem>>) src(%dma_wait3A_96 : memref<48x128xf32, #tpu.memory_space<hbm>>) dst(%dma_wait3A_93 : memref<48x128xf32, #tpu.memory_space<vmem_shared>>)
        tpu.yield
      }) : () -> ()
    } else {
    }
    %barrier3A = arith.constant 0 : index
    tpu.barrier barrier_id(%barrier3A)
    %scan3A = arith.constant 0 : i32
    %scan3A_69 = arith.constant 0 : i32
    %scan3A_70 = arith.constant 40 : i32
    %scan3A_71 = arith.addi %scan3A_69, %scan3A_70 : i32
    %scan3A_72 = arith.constant 1 : i32
    scf.for %scan3A_87 = %scan3A_69 to %scan3A_71 step %scan3A_72  : i32 {
      %mul3A_88 = arith.constant 4 : i32
      %mul3A_89 = arith.muli %scan3A_87, %mul3A_88 : i32
      %add3A_90 = arith.constant 0 : i32
      %add3A_91 = arith.addi %mul3A_89, %add3A_90 : i32
      %add3A_92 = arith.addi %select_n3A_20, %arg1 : i32
      %mul3A_93 = arith.constant 16 : i32
      %mul3A_94 = arith.muli %add3A_91, %mul3A_93 : i32
      %add3A_95 = arith.addi %add3A_92, %mul3A_94 : i32
      %add3A_96 = arith.addi %select_n3A_20, %arg1 : i32
      %sub3A_97 = arith.constant 2 : i32
      %sub3A_98 = arith.subi %add3A_91, %sub3A_97 : i32
      %mul3A_99 = arith.constant 16 : i32
      %mul3A_100 = arith.muli %sub3A_98, %mul3A_99 : i32
      %add3A_101 = arith.addi %add3A_96, %mul3A_100 : i32
      %ge3A = arith.constant 2 : i32
      %ge3A_102 = arith.cmpi sge, %add3A_91, %ge3A : i32
      %lt3A_103 = arith.cmpi slt, %add3A_101, %select_n3A_51 : i32
      %and3A_104 = arith.andi %ge3A_102, %lt3A_103 : i1
      %convert_element_type3A_105 = arith.extui %and3A_104 : i1 to i32
      %cond3A_106 = arith.constant 0 : i32
      %cond3A_107 = arith.cmpi ne, %convert_element_type3A_105, %cond3A_106 : i32
      scf.if %cond3A_107 {
        %dma_wait3A = arith.constant 0 : i32
        %dma_wait3A_221 = arith.constant 0 : i32
        %dma_wait3A_222 = tpu.memref_slice %arg16[%dma_wait3A, %dma_wait3A_221] : memref<5040x128xf32, #tpu.memory_space<vmem_shared>> -> memref<5040x128xf32, #tpu.memory_space<vmem_shared>>
        tpu.wait_indirect_dma semaphore(%arg23 : memref<!tpu.dma_semaphore, #tpu.memory_space<semaphore_mem>>) src(%arg9 : memref<128x128xf32, #tpu.memory_space<vmem>>) dst(%dma_wait3A_222 : memref<5040x128xf32, #tpu.memory_space<vmem_shared>>)
      } else {
      }
      %add3A_108 = arith.constant 2 : i32
      %add3A_109 = arith.addi %add3A_91, %add3A_108 : i32
      %add3A_110 = arith.addi %select_n3A_20, %arg1 : i32
      %mul3A_111 = arith.constant 16 : i32
      %mul3A_112 = arith.muli %add3A_109, %mul3A_111 : i32
      %add3A_113 = arith.addi %add3A_110, %mul3A_112 : i32
      %lt3A_114 = arith.cmpi slt, %add3A_113, %select_n3A_51 : i32
      %convert_element_type3A_115 = arith.extui %lt3A_114 : i1 to i32
      %cond3A_116 = arith.constant 0 : i32
      %cond3A_117 = arith.cmpi ne, %convert_element_type3A_115, %cond3A_116 : i32
      scf.if %cond3A_117 {
        %mul3A_221 = arith.constant 320000 : i32
        %mul3A_222 = arith.muli %arg0, %mul3A_221 : i32
        %mul3A_223 = arith.constant 128 : i32
        %mul3A_224 = arith.muli %add3A_113, %mul3A_223 : i32
        %add3A_225 = arith.addi %mul3A_222, %mul3A_224 : i32
        %dma_start3A = tpu.memref_slice %arg3[%add3A_225] : memref<640000xi32, #tpu.memory_space<hbm>> -> memref<128xi32, #tpu.memory_space<hbm>>
        %dma_start3A_226 = tpu.memref_slice %arg3[%add3A_225] : memref<640000xi32, #tpu.memory_space<hbm>> -> memref<128xi32, #tpu.memory_space<hbm>>
        tpu.enqueue_dma source(%dma_start3A_226 : memref<128xi32, #tpu.memory_space<hbm>>) target(%arg13 : memref<128xi32, #tpu.memory_space<vmem>>) target_semaphore(%arg19 : memref<!tpu.dma_semaphore, #tpu.memory_space<semaphore_mem>>)
        %mul3A_227 = arith.constant 128 : i32
        %mul3A_228 = arith.muli %add3A_113, %mul3A_227 : i32
        %dma_start3A_229 = arith.constant 0 : i32
        %dma_start3A_230 = tpu.memref_slice %arg2[%mul3A_228, %dma_start3A_229] : memref<320000x128xf32, #tpu.memory_space<hbm>> -> memref<128x128xf32, #tpu.memory_space<hbm>>
        %dma_start3A_231 = arith.constant 0 : i32
        %dma_start3A_232 = tpu.memref_slice %arg2[%mul3A_228, %dma_start3A_231] : memref<320000x128xf32, #tpu.memory_space<hbm>> -> memref<128x128xf32, #tpu.memory_space<hbm>>
        tpu.enqueue_dma source(%dma_start3A_232 : memref<128x128xf32, #tpu.memory_space<hbm>>) target(%arg9 : memref<128x128xf32, #tpu.memory_space<vmem>>) target_semaphore(%arg19 : memref<!tpu.dma_semaphore, #tpu.memory_space<semaphore_mem>>)
      } else {
      }
      %lt3A_118 = arith.cmpi slt, %add3A_95, %select_n3A_51 : i32
      %convert_element_type3A_119 = arith.extui %lt3A_118 : i1 to i32
      %cond3A_120 = arith.constant 0 : i32
      %cond3A_121 = arith.cmpi ne, %convert_element_type3A_119, %cond3A_120 : i32
      scf.if %cond3A_121 {
        %dma_wait3A = arith.constant 0 : i32
        %dma_wait3A_221 = tpu.memref_slice %arg3[%dma_wait3A] : memref<640000xi32, #tpu.memory_space<hbm>> -> memref<128xi32, #tpu.memory_space<hbm>>
        %dma_wait3A_222 = arith.constant 0 : i32
        %dma_wait3A_223 = tpu.memref_slice %arg3[%dma_wait3A_222] : memref<640000xi32, #tpu.memory_space<hbm>> -> memref<128xi32, #tpu.memory_space<hbm>>
        tpu.wait_dma2 semaphore(%arg17 : memref<!tpu.dma_semaphore, #tpu.memory_space<semaphore_mem>>) src(%dma_wait3A_223 : memref<128xi32, #tpu.memory_space<hbm>>) dst(%arg11 : memref<128xi32, #tpu.memory_space<vmem>>)
        %dma_wait3A_224 = arith.constant 0 : i32
        %dma_wait3A_225 = arith.constant 0 : i32
        %dma_wait3A_226 = tpu.memref_slice %arg2[%dma_wait3A_224, %dma_wait3A_225] : memref<320000x128xf32, #tpu.memory_space<hbm>> -> memref<128x128xf32, #tpu.memory_space<hbm>>
        %dma_wait3A_227 = arith.constant 0 : i32
        %dma_wait3A_228 = arith.constant 0 : i32
        %dma_wait3A_229 = tpu.memref_slice %arg2[%dma_wait3A_227, %dma_wait3A_228] : memref<320000x128xf32, #tpu.memory_space<hbm>> -> memref<128x128xf32, #tpu.memory_space<hbm>>
        tpu.wait_dma2 semaphore(%arg17 : memref<!tpu.dma_semaphore, #tpu.memory_space<semaphore_mem>>) src(%dma_wait3A_229 : memref<128x128xf32, #tpu.memory_space<hbm>>) dst(%arg7 : memref<128x128xf32, #tpu.memory_space<vmem>>)
        %dma_start3A = arith.constant 0 : i32
        %dma_start3A_230 = arith.constant 0 : i32
        %dma_start3A_231 = tpu.memref_slice %arg16[%dma_start3A, %dma_start3A_230] : memref<5040x128xf32, #tpu.memory_space<vmem_shared>> -> memref<5040x128xf32, #tpu.memory_space<vmem_shared>>
        tpu.enqueue_indirect_dma source(%arg7 : memref<128x128xf32, #tpu.memory_space<vmem>>) target(%dma_start3A_231 : memref<5040x128xf32, #tpu.memory_space<vmem_shared>>) offsets(%arg11 : memref<128xi32, #tpu.memory_space<vmem>>) semaphore(%arg21 : memref<!tpu.dma_semaphore, #tpu.memory_space<semaphore_mem>>) {add = true}
      } else {
      }
      %add3A_122 = arith.constant 1 : i32
      %add3A_123 = arith.addi %mul3A_89, %add3A_122 : i32
      %add3A_124 = arith.addi %select_n3A_20, %arg1 : i32
      %mul3A_125 = arith.constant 16 : i32
      %mul3A_126 = arith.muli %add3A_123, %mul3A_125 : i32
      %add3A_127 = arith.addi %add3A_124, %mul3A_126 : i32
      %add3A_128 = arith.addi %select_n3A_20, %arg1 : i32
      %sub3A_129 = arith.constant 2 : i32
      %sub3A_130 = arith.subi %add3A_123, %sub3A_129 : i32
      %mul3A_131 = arith.constant 16 : i32
      %mul3A_132 = arith.muli %sub3A_130, %mul3A_131 : i32
      %add3A_133 = arith.addi %add3A_128, %mul3A_132 : i32
      %ge3A_134 = arith.constant 2 : i32
      %ge3A_135 = arith.cmpi sge, %add3A_123, %ge3A_134 : i32
      %lt3A_136 = arith.cmpi slt, %add3A_133, %select_n3A_51 : i32
      %and3A_137 = arith.andi %ge3A_135, %lt3A_136 : i1
      %convert_element_type3A_138 = arith.extui %and3A_137 : i1 to i32
      %cond3A_139 = arith.constant 0 : i32
      %cond3A_140 = arith.cmpi ne, %convert_element_type3A_138, %cond3A_139 : i32
      scf.if %cond3A_140 {
        %dma_wait3A = arith.constant 0 : i32
        %dma_wait3A_221 = arith.constant 0 : i32
        %dma_wait3A_222 = tpu.memref_slice %arg16[%dma_wait3A, %dma_wait3A_221] : memref<5040x128xf32, #tpu.memory_space<vmem_shared>> -> memref<5040x128xf32, #tpu.memory_space<vmem_shared>>
        tpu.wait_indirect_dma semaphore(%arg24 : memref<!tpu.dma_semaphore, #tpu.memory_space<semaphore_mem>>) src(%arg10 : memref<128x128xf32, #tpu.memory_space<vmem>>) dst(%dma_wait3A_222 : memref<5040x128xf32, #tpu.memory_space<vmem_shared>>)
      } else {
      }
      %add3A_141 = arith.constant 2 : i32
      %add3A_142 = arith.addi %add3A_123, %add3A_141 : i32
      %add3A_143 = arith.addi %select_n3A_20, %arg1 : i32
      %mul3A_144 = arith.constant 16 : i32
      %mul3A_145 = arith.muli %add3A_142, %mul3A_144 : i32
      %add3A_146 = arith.addi %add3A_143, %mul3A_145 : i32
      %lt3A_147 = arith.cmpi slt, %add3A_146, %select_n3A_51 : i32
      %convert_element_type3A_148 = arith.extui %lt3A_147 : i1 to i32
      %cond3A_149 = arith.constant 0 : i32
      %cond3A_150 = arith.cmpi ne, %convert_element_type3A_148, %cond3A_149 : i32
      scf.if %cond3A_150 {
        %mul3A_221 = arith.constant 320000 : i32
        %mul3A_222 = arith.muli %arg0, %mul3A_221 : i32
        %mul3A_223 = arith.constant 128 : i32
        %mul3A_224 = arith.muli %add3A_146, %mul3A_223 : i32
        %add3A_225 = arith.addi %mul3A_222, %mul3A_224 : i32
        %dma_start3A = tpu.memref_slice %arg3[%add3A_225] : memref<640000xi32, #tpu.memory_space<hbm>> -> memref<128xi32, #tpu.memory_space<hbm>>
        %dma_start3A_226 = tpu.memref_slice %arg3[%add3A_225] : memref<640000xi32, #tpu.memory_space<hbm>> -> memref<128xi32, #tpu.memory_space<hbm>>
        tpu.enqueue_dma source(%dma_start3A_226 : memref<128xi32, #tpu.memory_space<hbm>>) target(%arg14 : memref<128xi32, #tpu.memory_space<vmem>>) target_semaphore(%arg20 : memref<!tpu.dma_semaphore, #tpu.memory_space<semaphore_mem>>)
        %mul3A_227 = arith.constant 128 : i32
        %mul3A_228 = arith.muli %add3A_146, %mul3A_227 : i32
        %dma_start3A_229 = arith.constant 0 : i32
        %dma_start3A_230 = tpu.memref_slice %arg2[%mul3A_228, %dma_start3A_229] : memref<320000x128xf32, #tpu.memory_space<hbm>> -> memref<128x128xf32, #tpu.memory_space<hbm>>
        %dma_start3A_231 = arith.constant 0 : i32
        %dma_start3A_232 = tpu.memref_slice %arg2[%mul3A_228, %dma_start3A_231] : memref<320000x128xf32, #tpu.memory_space<hbm>> -> memref<128x128xf32, #tpu.memory_space<hbm>>
        tpu.enqueue_dma source(%dma_start3A_232 : memref<128x128xf32, #tpu.memory_space<hbm>>) target(%arg10 : memref<128x128xf32, #tpu.memory_space<vmem>>) target_semaphore(%arg20 : memref<!tpu.dma_semaphore, #tpu.memory_space<semaphore_mem>>)
      } else {
      }
      %lt3A_151 = arith.cmpi slt, %add3A_127, %select_n3A_51 : i32
      %convert_element_type3A_152 = arith.extui %lt3A_151 : i1 to i32
      %cond3A_153 = arith.constant 0 : i32
      %cond3A_154 = arith.cmpi ne, %convert_element_type3A_152, %cond3A_153 : i32
      scf.if %cond3A_154 {
        %dma_wait3A = arith.constant 0 : i32
        %dma_wait3A_221 = tpu.memref_slice %arg3[%dma_wait3A] : memref<640000xi32, #tpu.memory_space<hbm>> -> memref<128xi32, #tpu.memory_space<hbm>>
        %dma_wait3A_222 = arith.constant 0 : i32
        %dma_wait3A_223 = tpu.memref_slice %arg3[%dma_wait3A_222] : memref<640000xi32, #tpu.memory_space<hbm>> -> memref<128xi32, #tpu.memory_space<hbm>>
        tpu.wait_dma2 semaphore(%arg18 : memref<!tpu.dma_semaphore, #tpu.memory_space<semaphore_mem>>) src(%dma_wait3A_223 : memref<128xi32, #tpu.memory_space<hbm>>) dst(%arg12 : memref<128xi32, #tpu.memory_space<vmem>>)
        %dma_wait3A_224 = arith.constant 0 : i32
        %dma_wait3A_225 = arith.constant 0 : i32
        %dma_wait3A_226 = tpu.memref_slice %arg2[%dma_wait3A_224, %dma_wait3A_225] : memref<320000x128xf32, #tpu.memory_space<hbm>> -> memref<128x128xf32, #tpu.memory_space<hbm>>
        %dma_wait3A_227 = arith.constant 0 : i32
        %dma_wait3A_228 = arith.constant 0 : i32
        %dma_wait3A_229 = tpu.memref_slice %arg2[%dma_wait3A_227, %dma_wait3A_228] : memref<320000x128xf32, #tpu.memory_space<hbm>> -> memref<128x128xf32, #tpu.memory_space<hbm>>
        tpu.wait_dma2 semaphore(%arg18 : memref<!tpu.dma_semaphore, #tpu.memory_space<semaphore_mem>>) src(%dma_wait3A_229 : memref<128x128xf32, #tpu.memory_space<hbm>>) dst(%arg8 : memref<128x128xf32, #tpu.memory_space<vmem>>)
        %dma_start3A = arith.constant 0 : i32
        %dma_start3A_230 = arith.constant 0 : i32
        %dma_start3A_231 = tpu.memref_slice %arg16[%dma_start3A, %dma_start3A_230] : memref<5040x128xf32, #tpu.memory_space<vmem_shared>> -> memref<5040x128xf32, #tpu.memory_space<vmem_shared>>
        tpu.enqueue_indirect_dma source(%arg8 : memref<128x128xf32, #tpu.memory_space<vmem>>) target(%dma_start3A_231 : memref<5040x128xf32, #tpu.memory_space<vmem_shared>>) offsets(%arg12 : memref<128xi32, #tpu.memory_space<vmem>>) semaphore(%arg22 : memref<!tpu.dma_semaphore, #tpu.memory_space<semaphore_mem>>) {add = true}
      } else {
      }
      %add3A_155 = arith.constant 2 : i32
      %add3A_156 = arith.addi %mul3A_89, %add3A_155 : i32
      %add3A_157 = arith.addi %select_n3A_20, %arg1 : i32
      %mul3A_158 = arith.constant 16 : i32
      %mul3A_159 = arith.muli %add3A_156, %mul3A_158 : i32
      %add3A_160 = arith.addi %add3A_157, %mul3A_159 : i32
      %add3A_161 = arith.addi %select_n3A_20, %arg1 : i32
      %sub3A_162 = arith.constant 2 : i32
      %sub3A_163 = arith.subi %add3A_156, %sub3A_162 : i32
      %mul3A_164 = arith.constant 16 : i32
      %mul3A_165 = arith.muli %sub3A_163, %mul3A_164 : i32
      %add3A_166 = arith.addi %add3A_161, %mul3A_165 : i32
      %ge3A_167 = arith.constant 2 : i32
      %ge3A_168 = arith.cmpi sge, %add3A_156, %ge3A_167 : i32
      %lt3A_169 = arith.cmpi slt, %add3A_166, %select_n3A_51 : i32
      %and3A_170 = arith.andi %ge3A_168, %lt3A_169 : i1
      %convert_element_type3A_171 = arith.extui %and3A_170 : i1 to i32
      %cond3A_172 = arith.constant 0 : i32
      %cond3A_173 = arith.cmpi ne, %convert_element_type3A_171, %cond3A_172 : i32
      scf.if %cond3A_173 {
        %dma_wait3A = arith.constant 0 : i32
        %dma_wait3A_221 = arith.constant 0 : i32
        %dma_wait3A_222 = tpu.memref_slice %arg16[%dma_wait3A, %dma_wait3A_221] : memref<5040x128xf32, #tpu.memory_space<vmem_shared>> -> memref<5040x128xf32, #tpu.memory_space<vmem_shared>>
        tpu.wait_indirect_dma semaphore(%arg21 : memref<!tpu.dma_semaphore, #tpu.memory_space<semaphore_mem>>) src(%arg7 : memref<128x128xf32, #tpu.memory_space<vmem>>) dst(%dma_wait3A_222 : memref<5040x128xf32, #tpu.memory_space<vmem_shared>>)
      } else {
      }
      %add3A_174 = arith.constant 2 : i32
      %add3A_175 = arith.addi %add3A_156, %add3A_174 : i32
      %add3A_176 = arith.addi %select_n3A_20, %arg1 : i32
      %mul3A_177 = arith.constant 16 : i32
      %mul3A_178 = arith.muli %add3A_175, %mul3A_177 : i32
      %add3A_179 = arith.addi %add3A_176, %mul3A_178 : i32
      %lt3A_180 = arith.cmpi slt, %add3A_179, %select_n3A_51 : i32
      %convert_element_type3A_181 = arith.extui %lt3A_180 : i1 to i32
      %cond3A_182 = arith.constant 0 : i32
      %cond3A_183 = arith.cmpi ne, %convert_element_type3A_181, %cond3A_182 : i32
      scf.if %cond3A_183 {
        %mul3A_221 = arith.constant 320000 : i32
        %mul3A_222 = arith.muli %arg0, %mul3A_221 : i32
        %mul3A_223 = arith.constant 128 : i32
        %mul3A_224 = arith.muli %add3A_179, %mul3A_223 : i32
        %add3A_225 = arith.addi %mul3A_222, %mul3A_224 : i32
        %dma_start3A = tpu.memref_slice %arg3[%add3A_225] : memref<640000xi32, #tpu.memory_space<hbm>> -> memref<128xi32, #tpu.memory_space<hbm>>
        %dma_start3A_226 = tpu.memref_slice %arg3[%add3A_225] : memref<640000xi32, #tpu.memory_space<hbm>> -> memref<128xi32, #tpu.memory_space<hbm>>
        tpu.enqueue_dma source(%dma_start3A_226 : memref<128xi32, #tpu.memory_space<hbm>>) target(%arg11 : memref<128xi32, #tpu.memory_space<vmem>>) target_semaphore(%arg17 : memref<!tpu.dma_semaphore, #tpu.memory_space<semaphore_mem>>)
        %mul3A_227 = arith.constant 128 : i32
        %mul3A_228 = arith.muli %add3A_179, %mul3A_227 : i32
        %dma_start3A_229 = arith.constant 0 : i32
        %dma_start3A_230 = tpu.memref_slice %arg2[%mul3A_228, %dma_start3A_229] : memref<320000x128xf32, #tpu.memory_space<hbm>> -> memref<128x128xf32, #tpu.memory_space<hbm>>
        %dma_start3A_231 = arith.constant 0 : i32
        %dma_start3A_232 = tpu.memref_slice %arg2[%mul3A_228, %dma_start3A_231] : memref<320000x128xf32, #tpu.memory_space<hbm>> -> memref<128x128xf32, #tpu.memory_space<hbm>>
        tpu.enqueue_dma source(%dma_start3A_232 : memref<128x128xf32, #tpu.memory_space<hbm>>) target(%arg7 : memref<128x128xf32, #tpu.memory_space<vmem>>) target_semaphore(%arg17 : memref<!tpu.dma_semaphore, #tpu.memory_space<semaphore_mem>>)
      } else {
      }
      %lt3A_184 = arith.cmpi slt, %add3A_160, %select_n3A_51 : i32
      %convert_element_type3A_185 = arith.extui %lt3A_184 : i1 to i32
      %cond3A_186 = arith.constant 0 : i32
      %cond3A_187 = arith.cmpi ne, %convert_element_type3A_185, %cond3A_186 : i32
      scf.if %cond3A_187 {
        %dma_wait3A = arith.constant 0 : i32
        %dma_wait3A_221 = tpu.memref_slice %arg3[%dma_wait3A] : memref<640000xi32, #tpu.memory_space<hbm>> -> memref<128xi32, #tpu.memory_space<hbm>>
        %dma_wait3A_222 = arith.constant 0 : i32
        %dma_wait3A_223 = tpu.memref_slice %arg3[%dma_wait3A_222] : memref<640000xi32, #tpu.memory_space<hbm>> -> memref<128xi32, #tpu.memory_space<hbm>>
        tpu.wait_dma2 semaphore(%arg19 : memref<!tpu.dma_semaphore, #tpu.memory_space<semaphore_mem>>) src(%dma_wait3A_223 : memref<128xi32, #tpu.memory_space<hbm>>) dst(%arg13 : memref<128xi32, #tpu.memory_space<vmem>>)
        %dma_wait3A_224 = arith.constant 0 : i32
        %dma_wait3A_225 = arith.constant 0 : i32
        %dma_wait3A_226 = tpu.memref_slice %arg2[%dma_wait3A_224, %dma_wait3A_225] : memref<320000x128xf32, #tpu.memory_space<hbm>> -> memref<128x128xf32, #tpu.memory_space<hbm>>
        %dma_wait3A_227 = arith.constant 0 : i32
        %dma_wait3A_228 = arith.constant 0 : i32
        %dma_wait3A_229 = tpu.memref_slice %arg2[%dma_wait3A_227, %dma_wait3A_228] : memref<320000x128xf32, #tpu.memory_space<hbm>> -> memref<128x128xf32, #tpu.memory_space<hbm>>
        tpu.wait_dma2 semaphore(%arg19 : memref<!tpu.dma_semaphore, #tpu.memory_space<semaphore_mem>>) src(%dma_wait3A_229 : memref<128x128xf32, #tpu.memory_space<hbm>>) dst(%arg9 : memref<128x128xf32, #tpu.memory_space<vmem>>)
        %dma_start3A = arith.constant 0 : i32
        %dma_start3A_230 = arith.constant 0 : i32
        %dma_start3A_231 = tpu.memref_slice %arg16[%dma_start3A, %dma_start3A_230] : memref<5040x128xf32, #tpu.memory_space<vmem_shared>> -> memref<5040x128xf32, #tpu.memory_space<vmem_shared>>
        tpu.enqueue_indirect_dma source(%arg9 : memref<128x128xf32, #tpu.memory_space<vmem>>) target(%dma_start3A_231 : memref<5040x128xf32, #tpu.memory_space<vmem_shared>>) offsets(%arg13 : memref<128xi32, #tpu.memory_space<vmem>>) semaphore(%arg23 : memref<!tpu.dma_semaphore, #tpu.memory_space<semaphore_mem>>) {add = true}
      } else {
      }
      %add3A_188 = arith.constant 3 : i32
      %add3A_189 = arith.addi %mul3A_89, %add3A_188 : i32
      %add3A_190 = arith.addi %select_n3A_20, %arg1 : i32
      %mul3A_191 = arith.constant 16 : i32
      %mul3A_192 = arith.muli %add3A_189, %mul3A_191 : i32
      %add3A_193 = arith.addi %add3A_190, %mul3A_192 : i32
      %add3A_194 = arith.addi %select_n3A_20, %arg1 : i32
      %sub3A_195 = arith.constant 2 : i32
      %sub3A_196 = arith.subi %add3A_189, %sub3A_195 : i32
      %mul3A_197 = arith.constant 16 : i32
      %mul3A_198 = arith.muli %sub3A_196, %mul3A_197 : i32
      %add3A_199 = arith.addi %add3A_194, %mul3A_198 : i32
      %ge3A_200 = arith.constant 2 : i32
      %ge3A_201 = arith.cmpi sge, %add3A_189, %ge3A_200 : i32
      %lt3A_202 = arith.cmpi slt, %add3A_199, %select_n3A_51 : i32
      %and3A_203 = arith.andi %ge3A_201, %lt3A_202 : i1
      %convert_element_type3A_204 = arith.extui %and3A_203 : i1 to i32
      %cond3A_205 = arith.constant 0 : i32
      %cond3A_206 = arith.cmpi ne, %convert_element_type3A_204, %cond3A_205 : i32
      scf.if %cond3A_206 {
        %dma_wait3A = arith.constant 0 : i32
        %dma_wait3A_221 = arith.constant 0 : i32
        %dma_wait3A_222 = tpu.memref_slice %arg16[%dma_wait3A, %dma_wait3A_221] : memref<5040x128xf32, #tpu.memory_space<vmem_shared>> -> memref<5040x128xf32, #tpu.memory_space<vmem_shared>>
        tpu.wait_indirect_dma semaphore(%arg22 : memref<!tpu.dma_semaphore, #tpu.memory_space<semaphore_mem>>) src(%arg8 : memref<128x128xf32, #tpu.memory_space<vmem>>) dst(%dma_wait3A_222 : memref<5040x128xf32, #tpu.memory_space<vmem_shared>>)
      } else {
      }
      %add3A_207 = arith.constant 2 : i32
      %add3A_208 = arith.addi %add3A_189, %add3A_207 : i32
      %add3A_209 = arith.addi %select_n3A_20, %arg1 : i32
      %mul3A_210 = arith.constant 16 : i32
      %mul3A_211 = arith.muli %add3A_208, %mul3A_210 : i32
      %add3A_212 = arith.addi %add3A_209, %mul3A_211 : i32
      %lt3A_213 = arith.cmpi slt, %add3A_212, %select_n3A_51 : i32
      %convert_element_type3A_214 = arith.extui %lt3A_213 : i1 to i32
      %cond3A_215 = arith.constant 0 : i32
      %cond3A_216 = arith.cmpi ne, %convert_element_type3A_214, %cond3A_215 : i32
      scf.if %cond3A_216 {
        %mul3A_221 = arith.constant 320000 : i32
        %mul3A_222 = arith.muli %arg0, %mul3A_221 : i32
        %mul3A_223 = arith.constant 128 : i32
        %mul3A_224 = arith.muli %add3A_212, %mul3A_223 : i32
        %add3A_225 = arith.addi %mul3A_222, %mul3A_224 : i32
        %dma_start3A = tpu.memref_slice %arg3[%add3A_225] : memref<640000xi32, #tpu.memory_space<hbm>> -> memref<128xi32, #tpu.memory_space<hbm>>
        %dma_start3A_226 = tpu.memref_slice %arg3[%add3A_225] : memref<640000xi32, #tpu.memory_space<hbm>> -> memref<128xi32, #tpu.memory_space<hbm>>
        tpu.enqueue_dma source(%dma_start3A_226 : memref<128xi32, #tpu.memory_space<hbm>>) target(%arg12 : memref<128xi32, #tpu.memory_space<vmem>>) target_semaphore(%arg18 : memref<!tpu.dma_semaphore, #tpu.memory_space<semaphore_mem>>)
        %mul3A_227 = arith.constant 128 : i32
        %mul3A_228 = arith.muli %add3A_212, %mul3A_227 : i32
        %dma_start3A_229 = arith.constant 0 : i32
        %dma_start3A_230 = tpu.memref_slice %arg2[%mul3A_228, %dma_start3A_229] : memref<320000x128xf32, #tpu.memory_space<hbm>> -> memref<128x128xf32, #tpu.memory_space<hbm>>
        %dma_start3A_231 = arith.constant 0 : i32
        %dma_start3A_232 = tpu.memref_slice %arg2[%mul3A_228, %dma_start3A_231] : memref<320000x128xf32, #tpu.memory_space<hbm>> -> memref<128x128xf32, #tpu.memory_space<hbm>>
        tpu.enqueue_dma source(%dma_start3A_232 : memref<128x128xf32, #tpu.memory_space<hbm>>) target(%arg8 : memref<128x128xf32, #tpu.memory_space<vmem>>) target_semaphore(%arg18 : memref<!tpu.dma_semaphore, #tpu.memory_space<semaphore_mem>>)
      } else {
      }
      %lt3A_217 = arith.cmpi slt, %add3A_193, %select_n3A_51 : i32
      %convert_element_type3A_218 = arith.extui %lt3A_217 : i1 to i32
      %cond3A_219 = arith.constant 0 : i32
      %cond3A_220 = arith.cmpi ne, %convert_element_type3A_218, %cond3A_219 : i32
      scf.if %cond3A_220 {
        %dma_wait3A = arith.constant 0 : i32
        %dma_wait3A_221 = tpu.memref_slice %arg3[%dma_wait3A] : memref<640000xi32, #tpu.memory_space<hbm>> -> memref<128xi32, #tpu.memory_space<hbm>>
        %dma_wait3A_222 = arith.constant 0 : i32
        %dma_wait3A_223 = tpu.memref_slice %arg3[%dma_wait3A_222] : memref<640000xi32, #tpu.memory_space<hbm>> -> memref<128xi32, #tpu.memory_space<hbm>>
        tpu.wait_dma2 semaphore(%arg20 : memref<!tpu.dma_semaphore, #tpu.memory_space<semaphore_mem>>) src(%dma_wait3A_223 : memref<128xi32, #tpu.memory_space<hbm>>) dst(%arg14 : memref<128xi32, #tpu.memory_space<vmem>>)
        %dma_wait3A_224 = arith.constant 0 : i32
        %dma_wait3A_225 = arith.constant 0 : i32
        %dma_wait3A_226 = tpu.memref_slice %arg2[%dma_wait3A_224, %dma_wait3A_225] : memref<320000x128xf32, #tpu.memory_space<hbm>> -> memref<128x128xf32, #tpu.memory_space<hbm>>
        %dma_wait3A_227 = arith.constant 0 : i32
        %dma_wait3A_228 = arith.constant 0 : i32
        %dma_wait3A_229 = tpu.memref_slice %arg2[%dma_wait3A_227, %dma_wait3A_228] : memref<320000x128xf32, #tpu.memory_space<hbm>> -> memref<128x128xf32, #tpu.memory_space<hbm>>
        tpu.wait_dma2 semaphore(%arg20 : memref<!tpu.dma_semaphore, #tpu.memory_space<semaphore_mem>>) src(%dma_wait3A_229 : memref<128x128xf32, #tpu.memory_space<hbm>>) dst(%arg10 : memref<128x128xf32, #tpu.memory_space<vmem>>)
        %dma_start3A = arith.constant 0 : i32
        %dma_start3A_230 = arith.constant 0 : i32
        %dma_start3A_231 = tpu.memref_slice %arg16[%dma_start3A, %dma_start3A_230] : memref<5040x128xf32, #tpu.memory_space<vmem_shared>> -> memref<5040x128xf32, #tpu.memory_space<vmem_shared>>
        tpu.enqueue_indirect_dma source(%arg10 : memref<128x128xf32, #tpu.memory_space<vmem>>) target(%dma_start3A_231 : memref<5040x128xf32, #tpu.memory_space<vmem_shared>>) offsets(%arg14 : memref<128xi32, #tpu.memory_space<vmem>>) semaphore(%arg24 : memref<!tpu.dma_semaphore, #tpu.memory_space<semaphore_mem>>) {add = true}
      } else {
      }
    }
    %scan3A_73 = arith.constant 40 : i32
    %barrier3A_74 = arith.constant 0 : index
    tpu.barrier barrier_id(%barrier3A_74)
    %mul3A_75 = arith.constant 312 : i32
    %mul3A_76 = arith.muli %arg1, %mul3A_75 : i32
    %mul3A_77 = arith.constant 5000 : i32
    %mul3A_78 = arith.muli %arg0, %mul3A_77 : i32
    %mul3A_79 = arith.constant 312 : i32
    %mul3A_80 = arith.muli %arg1, %mul3A_79 : i32
    %add3A_81 = arith.addi %mul3A_78, %mul3A_80 : i32
    "tpu.region"() ({
      %run_scoped3A = tpu.sem_alloc : memref<!tpu.dma_semaphore, #tpu.memory_space<semaphore_mem>>
      %dma_start3A = arith.constant 0 : i32
      %dma_start3A_87 = tpu.memref_slice %arg6[%add3A_81, %dma_start3A] : memref<10000x128xf32, #tpu.memory_space<hbm>> -> memref<312x128xf32, #tpu.memory_space<hbm>>
      %dma_start3A_88 = arith.constant 0 : i32
      %dma_start3A_89 = tpu.memref_slice %arg16[%mul3A_76, %dma_start3A_88] : memref<5040x128xf32, #tpu.memory_space<vmem_shared>> -> memref<312x128xf32, #tpu.memory_space<vmem_shared>>
      tpu.enqueue_dma source(%dma_start3A_89 : memref<312x128xf32, #tpu.memory_space<vmem_shared>>) target(%dma_start3A_87 : memref<312x128xf32, #tpu.memory_space<hbm>>) target_semaphore(%run_scoped3A : memref<!tpu.dma_semaphore, #tpu.memory_space<semaphore_mem>>)
      %dma_wait3A = arith.constant 0 : i32
      %dma_wait3A_90 = tpu.memref_slice %arg6[%add3A_81, %dma_wait3A] : memref<10000x128xf32, #tpu.memory_space<hbm>> -> memref<312x128xf32, #tpu.memory_space<hbm>>
      %dma_wait3A_91 = arith.constant 0 : i32
      %dma_wait3A_92 = tpu.memref_slice %arg16[%mul3A_76, %dma_wait3A_91] : memref<5040x128xf32, #tpu.memory_space<vmem_shared>> -> memref<312x128xf32, #tpu.memory_space<vmem_shared>>
      tpu.wait_dma2 semaphore(%run_scoped3A : memref<!tpu.dma_semaphore, #tpu.memory_space<semaphore_mem>>) src(%dma_wait3A_92 : memref<312x128xf32, #tpu.memory_space<vmem_shared>>) dst(%dma_wait3A_90 : memref<312x128xf32, #tpu.memory_space<hbm>>)
      tpu.yield
    }) : () -> ()
    %eq3A_82 = arith.constant 15 : i32
    %eq3A_83 = arith.cmpi eq, %arg1, %eq3A_82 : i32
    %convert_element_type3A_84 = arith.extui %eq3A_83 : i1 to i32
    %cond3A_85 = arith.constant 0 : i32
    %cond3A_86 = arith.cmpi ne, %convert_element_type3A_84, %cond3A_85 : i32
    scf.if %cond3A_86 {
      %mul3A_87 = arith.constant 5000 : i32
      %mul3A_88 = arith.muli %arg0, %mul3A_87 : i32
      %add3A_89 = arith.constant 4992 : i32
      %add3A_90 = arith.addi %mul3A_88, %add3A_89 : i32
      "tpu.region"() ({
        %run_scoped3A = tpu.sem_alloc : memref<!tpu.dma_semaphore, #tpu.memory_space<semaphore_mem>>
        %dma_start3A = arith.constant 0 : i32
        %dma_start3A_91 = tpu.memref_slice %arg6[%add3A_90, %dma_start3A] : memref<10000x128xf32, #tpu.memory_space<hbm>> -> memref<8x128xf32, #tpu.memory_space<hbm>>
        %dma_start3A_92 = arith.constant 4992 : i32
        %dma_start3A_93 = arith.constant 0 : i32
        %dma_start3A_94 = tpu.memref_slice %arg16[%dma_start3A_92, %dma_start3A_93] : memref<5040x128xf32, #tpu.memory_space<vmem_shared>> -> memref<8x128xf32, #tpu.memory_space<vmem_shared>>
        tpu.enqueue_dma source(%dma_start3A_94 : memref<8x128xf32, #tpu.memory_space<vmem_shared>>) target(%dma_start3A_91 : memref<8x128xf32, #tpu.memory_space<hbm>>) target_semaphore(%run_scoped3A : memref<!tpu.dma_semaphore, #tpu.memory_space<semaphore_mem>>)
        %dma_wait3A = arith.constant 0 : i32
        %dma_wait3A_95 = tpu.memref_slice %arg6[%add3A_90, %dma_wait3A] : memref<10000x128xf32, #tpu.memory_space<hbm>> -> memref<8x128xf32, #tpu.memory_space<hbm>>
        %dma_wait3A_96 = arith.constant 4992 : i32
        %dma_wait3A_97 = arith.constant 0 : i32
        %dma_wait3A_98 = tpu.memref_slice %arg16[%dma_wait3A_96, %dma_wait3A_97] : memref<5040x128xf32, #tpu.memory_space<vmem_shared>> -> memref<8x128xf32, #tpu.memory_space<vmem_shared>>
        tpu.wait_dma2 semaphore(%run_scoped3A : memref<!tpu.dma_semaphore, #tpu.memory_space<semaphore_mem>>) src(%dma_wait3A_98 : memref<8x128xf32, #tpu.memory_space<vmem_shared>>) dst(%dma_wait3A_95 : memref<8x128xf32, #tpu.memory_space<hbm>>)
        tpu.yield
      }) : () -> ()
    } else {
    }
    return
  }
}

</mosaic_0001>

<sc_bundles>
// kernel: kernel.3.cloned.1.call-start
scs
__scs_entry_jumppad:
0x0: {  	(pc) =	sbr.rel $0x88, $3  }
0x1: {  	(tag) =	ssettag $0x0;
	lr =	simm.s32 $0x1  }
0x2: {  	[smem:$0x3F9F] =	sst lr;
	_ =	strace $0xD0000000  }
0x3: {  	_ = 	snop  }
0x4: {  	_ = 	snop  }
0x5: {  	_ = 	snop  }
0x6: {  	_ = 	snop  }
0x7: {  	_ = 	snop  }
__scs_overlays_trampoline_lowered:
0x8: {  	[smem:$0x3FAE] =	sst s0  }
0x9: {  	[smem:$0x3FAF] =	sst s1  }
0xa: {  	[smem:$0x3FB0] =	sst s2  }
0xb: {  	[smem:$0x3FB1] =	sst s3  }
0xc: {  	[smem:$0x3FB2] =	sst s4  }
0xd: {  	[smem:$0x3FB3] =	sst s5  }
0xe: {  	[smem:$0x3FB4] =	sst s6  }
0xf: {  	[smem:$0x3FB5] =	sst s7  }
0x10: {  	[smem:$0x3FB6] =	sst s8  }
0x11: {  	[smem:$0x3FB7] =	sst s9;
	s0 =	simm.s32 @!p0 $0x0  }
0x12: {  	s1 =	sld [smem:$0x3F9D];
	s0 =	simm.s32 @p0 $0x1  }
0x13: {  	[smem:$0x3FB8] =	sst s0;
	s0 =	simm.s32 @!p1 $0x0  }
0x14: {  	s2 =	sld [smem:$0x3F9C];
	s0 =	simm.s32 @p1 $0x1  }
0x15: {  	[smem:$0x3FB9] =	sst s0;
	s0 =	simm.s32 @!p2 $0x0  }
0x16: {  	s3 =	sld [smem:$0x3FDB];
	s0 =	simm.s32 @p2 $0x1  }
0x17: {  	s4 =	simm.s32 $0x1BF5;
	[smem:$0x3FBB] =	sst s0  }
0x18: {  	s0 =	sld [smem:$0x3F9E];
	_ =	swait.ge [sflag:s4], $0x0  }
0x19: {  	s7 =	sld [smem:$0x3F9F]  }
0x1a: {  	s8 =	sadd.s32 $0xFFFFE003, lr  }
0x1b: {  	s9 =	sadd.s32 $0xFFFFFEF7, lr;
	s5 =	simm.s32 $0xFFFFFFFF;
	p2 =	slt.u32 s8, $0xFFFFF086  }
0x1c: {  	p1 =	slt.u32 s9, $0xF7A;
	s5 =	simm.s32 @!p2 $0x0  }
0x1d: {  	s5 =	simm.s32 @p1 $0x1;
	p0 =	seq.s32 s7, s2  }
0x1e: {  	s7 =	smul.u32 @!p0 $0xF7A, s2;
	p2 =	seq.s32 @!p0 s5, $0x0  }
0x1f: {  	s9 =	smul.u32 $0xF7A, s1;
	s8 =	simm.s32 @!p0 $0x1BF5;
	p2 =	por !p2, p0  }
0x20: {  	[sflag:s8] =	ssyncset.s32 @!p0 $0xFFFFF086;
	s6 =	sadd.s32 @!p0 s3, s7;
	s7 =	simm.s32 @!p0 $0x108  }
0x21: {  	s3 =	sadd.s32 s3, s9;
	s6 =	sadd.s32 @!p0 $0x88, s6;
	s7 =	simm.s32 @p2 $0x1082  }
0x22: {  	[simem:s7], [sflag:s8] =	dma.local @!p0 [hbm:s6], $0xF7A  }
0x23: {  	s9 =	sor.u32 $0xD0000000, s2;
	s6 =	simm.s32 $0x108;
	_ =	swait.ge @!p0 [sflag:s8], $0x0  }
0x24: {  	s3 =	sadd.s32 $0x88, s3;
	s6 =	simm.s32 @!p1 $0x1082;
	[sflag:s4] =	ssyncset.s32 $0xFFFFF086  }
0x25: {  	[simem:s6], [sflag:s4] =	dma.local [hbm:s3], $0xF7A  }
0x26: {  	[smem:$0x3F9F] =	sst s1;
	(tag) =	ssettag s2;
	_ =	strace s9  }
0x27: {  	s1 =	sld [smem:$0x3FAF]  }
0x28: {  	s2 =	sld [smem:$0x3FB0]  }
0x29: {  	s4 =	sld [smem:$0x3FB2]  }
0x2a: {  	p0 =	seq.s32 s5, $0x0;
	s5 =	sld [smem:$0x3FB3]  }
0x2b: {  	s6 =	sld [smem:$0x3FB4]  }
0x2c: {  	s7 =	sld [smem:$0x3FB5]  }
0x2d: {  	s3 =	simm.s32 $0x108;
	s8 =	sld [smem:$0x3FB6]  }
0x2e: {  	s3 =	simm.s32 @!p0 $0x1082;
	s9 =	sld [smem:$0x3FB7]  }
0x2f: {  	lr =	sadd.s32 s0, s3;
	s0 =	sld [smem:$0x3FAE]  }
0x30: {  	s3 =	sld [smem:$0x3FB1]  }
0x31: {  	[smem:$0x3FBA] =	sst s10  }
0x32: {  	s10 =	sld [smem:$0x3FB8];
	_ =	sdelay $0x3  }
0x33: {  	p0 =	seq.s32 s10, $0x1;
	s10 =	sld [smem:$0x3FBA];
	_ =	sdelay $0x3  }
0x34: {  	[smem:$0x3FBA] =	sst s10  }
0x35: {  	s10 =	sld [smem:$0x3FB9];
	_ =	sdelay $0x3  }
0x36: {  	p1 =	seq.s32 s10, $0x1;
	s10 =	sld [smem:$0x3FBA];
	_ =	sdelay $0x3  }
0x37: {  	[smem:$0x3FBA] =	sst s10  }
0x38: {  	s10 =	sld [smem:$0x3FBB]  }
0x39: {  	_ = 	snop;
	(pc) =	sbr.ind lr, $3  }
0x3a: {  	_ = 	snop  }
0x3b: {  	_ = 	snop  }
0x3c: {  	p2 =	seq.s32 s10, $0x1;
	s10 =	sld [smem:$0x3FBA]  }
0x3d: {  	_ =	shalt  }
0x3e: {  	_ =	shalt  }
0x3f: {  	_ =	shalt  }
0x40: {  	_ =	shalt  }
0x41: {  	_ =	shalt  }
0x42: {  	_ =	shalt  }
0x43: {  	_ =	shalt  }
0x44: {  	_ =	shalt  }
0x45: {  	_ =	shalt  }
0x46: {  	_ =	shalt  }
0x47: {  	_ =	shalt  }
0x48: {  	_ =	shalt  }
0x49: {  	_ =	shalt  }
0x4a: {  	_ =	shalt  }
0x4b: {  	_ =	shalt  }
0x4c: {  	_ =	shalt  }
0x4d: {  	_ =	shalt  }
0x4e: {  	_ =	shalt  }
0x4f: {  	_ =	shalt  }
0x50: {  	_ =	shalt  }
0x51: {  	_ =	shalt  }
0x52: {  	_ =	shalt  }
0x53: {  	_ =	shalt  }
0x54: {  	_ =	shalt  }
0x55: {  	_ =	shalt  }
0x56: {  	_ =	shalt  }
0x57: {  	_ =	shalt  }
0x58: {  	_ =	shalt  }
0x59: {  	_ =	shalt  }
0x5a: {  	_ =	shalt  }
0x5b: {  	_ =	shalt  }
0x5c: {  	_ =	shalt  }
0x5d: {  	_ =	shalt  }
0x5e: {  	_ =	shalt  }
0x5f: {  	_ =	shalt  }
0x60: {  	_ =	shalt  }
0x61: {  	_ =	shalt  }
0x62: {  	_ =	shalt  }
0x63: {  	_ =	shalt  }
0x64: {  	_ =	shalt  }
0x65: {  	_ =	shalt  }
0x66: {  	_ =	shalt  }
0x67: {  	_ =	shalt  }
0x68: {  	_ =	shalt  }
0x69: {  	_ =	shalt  }
0x6a: {  	_ =	shalt  }
0x6b: {  	_ =	shalt  }
0x6c: {  	_ =	shalt  }
0x6d: {  	_ =	shalt  }
0x6e: {  	_ =	shalt  }
0x6f: {  	_ =	shalt  }
0x70: {  	_ =	shalt  }
0x71: {  	_ =	shalt  }
0x72: {  	_ =	shalt  }
0x73: {  	_ =	shalt  }
0x74: {  	_ =	shalt  }
0x75: {  	_ =	shalt  }
0x76: {  	_ =	shalt  }
0x77: {  	_ =	shalt  }
0x78: {  	_ =	shalt  }
0x79: {  	_ =	shalt  }
0x7a: {  	_ =	shalt  }
0x7b: {  	_ =	shalt  }
0x7c: {  	_ =	shalt  }
0x7d: {  	_ =	shalt  }
0x7e: {  	_ =	shalt  }
0x7f: {  	_ =	shalt  }
0x80: {  	_ =	shalt  }
0x81: {  	_ =	shalt  }
0x82: {  	_ =	shalt  }
0x83: {  	_ =	shalt  }
0x84: {  	_ =	shalt  }
0x85: {  	_ =	shalt  }
0x86: {  	_ =	shalt  }
0x87: {  	_ =	shalt  }
.Lfunc_end0:
.L_simem_size_0:
called_computation_lowered:
.L_overlay_start_0:
0x88: {  	s2 =	sld [smem:$0x3FD9]  }
0x89: {  	s3 =	sld [smem:$0x3FFE];
	_ =	sdelay $0x1  }
0x8a: {  	s1 =	srdreg.scid  }
0x8b: {  	s0 =	sand.u32 $0x1, s1  }
0x8c: {  	s17 =	sshll.u32 s0, $0xA;
	s2 =	sadd.s32 s3, s2  }
0x8d: {  	s2 =	sadd.s32 s2, s17  }
0x8e: {  	[smem:$0x3FC6] =	sst s2  }
0x8f: {  	_ = 	snop  }
0x90: {  	s2 =	sld [smem:$0x3FC9]  }
0x91: {  	s18 =	sld [smem:$0x3FD0];
	(tm) =	ssettm $0x1  }
0x92: {  	s4 =	sld [smem:$0x3FFB];
	_ =	sdelay $0x3  }
0x93: {  	_ =	strace s4  }
0x94: {  	s4 =	sld [smem:$0x3FFC];
	_ =	sdelay $0x3  }
0x95: {  	_ =	strace s4  }
0x96: {  	s4 =	sld [smem:$0x3FFD];
	_ =	sdelay $0x3  }
0x97: {  	_ =	strace s4  }
0x98: {  	_ =	strace $0x8FFFFFFF  }
0x99: {  	s19 =	sld [smem:$0x3FDB];
	_ =	sdelay $0x1  }
0x9a: {  	s5 =	simm.s32 $_scs_section_size  }
0x9b: {  	s6 =	simm.s32 $_size__tile_overlayer_lowered;
	s7 =	simm.s32 $_tile_overlayer_lowered  }
0x9c: {  	s22 =	simm.s32 $0x1BFF;
	s21 =	sshll.u32 s7, $0x1;
	s4 =	sadd.s32 s5, s19  }
0x9d: {  	s8 =	simm.s32 $0x0;
	s20 =	sshll.u32 s6, $0x1;
	s6 =	sadd.s32 s21, s4  }
0x9e: {  	[timem:s8], [sflag:s22] =	dma.local [hbm:s6], s20  }
0x9f: {  	_ =	swait.ge [sflag:s22], s20  }
0xa0: {  	s5 =	ssub.s32 $0x0, s20;
	[sflag:s22] =	ssyncset.done $0x0  }
0xa1: {  	[sflag:s22] =	ssyncadd.s32 s5;
	_ =	sdelay $0x1  }
0xa2: {  	s23 =	simm.s32 $0x1B8B  }
0xa3: {  	_ =	swait.ge [sflag:s23], $0x1  }
0xa4: {  	[sflag:s23] =	ssyncset.done $0x0  }
0xa5: {  	s25 =	simm.s32 $0x1B8E;
	s24 =	sld [smem:$0x3FFE];
	[sflag:s23] =	ssyncadd.s32 $0xFFFFFFFF  }
0xa6: {  	s26 =	simm.s32 $execute0_lowered;
	[smem:$0x3FD2] =	sst s25  }
0xa7: {  	s6 =	sshll.u32 s26, $0x1;
	_ =	strace $0x80000046;
	[dreg:$0x1] =	wrdreg $0xFFFFFFFF  }
0xa8: {  	s28 =	simm.s32 $_size_execute0_lowered;
	s4 =	sadd.s32 s4, s6;
	[dreg:$0x0] =	wrdreg $0x0  }
0xa9: {  	s6 =	sshll.u32 s28, $0x1;
	[dreg:$0x2] =	wrdreg s4  }
0xaa: {  	[dreg:$0x3] =	wrdreg s6  }
0xab: {  	[dreg:$0x4] =	wrdreg $0xC0  }
0xac: {  	_ =	task [dreg:s8], $0x5FFFF  }
0xad: {  	[dreg:$0x1] =	wrdreg $0xFFFFFFFF  }
0xae: {  	[dreg:$0x0] =	wrdreg $0x60  }
0xaf: {  	[dreg:$0x2] =	wrdreg s2  }
0xb0: {  	[dreg:$0x3] =	wrdreg s24  }
0xb1: {  	[dreg:$0x4] =	wrdreg s18  }
0xb2: {  	[dreg:$0x5] =	wrdreg $0x102800  }
0xb3: {  	[dreg:$0x6] =	wrdreg $0x9  }
0xb4: {  	_ =	task.clear_ibuf [dreg:s8], $0x7FFFF;
	_ =	strace $0x90000046  }
0xb5: {  	s29 =	simm.s32 $0x9;
	_ =	strace $0x80000048  }
0xb6: {  	_ =	swait.ge [sflag:s29], $0x1  }
0xb7: {  	[sflag:s29] =	ssyncadd.s32 $0xFFFFFFFF  }
0xb8: {  	_ =	strace $0x90000048  }
0xb9: {  	_ =	sfence  }
0xba: {  	s30 =	sld [smem:$0x0];
	_ =	sdelay $0x2  }
0xbb: {  	s31 =	sshll.u32 s1, $0xD;
	s1 =	sshrl.u32 s1, $0x2  }
0xbc: {  	s3 =	sand.u32 $0x4000, s31;
	s1 =	sadd.s32 s1, s30  }
0xbd: {  	s0 =	sor.u32 s3, s0;
	s1 =	sshll.u32 s1, $0x11  }
0xbe: {  	s0 =	sor.u32 s1, s0  }
0xbf: {  	s0 =	sadd.s32 $0x8F2B, s0  }
0xc0: {  	[sflag:s0] =	ssyncadd.remote.s32 $0x1  }
0xc1: {  	_ =	sfence.sel $0xFFFF  }
0xc2: {  	[dreg:$0x0] =	wrdreg $0xFFFFFFFF;
	(pc) =	sbr.abs _section_cstart, $3  }
0xc3: {  	[dreg:$0x1] =	wrdreg $0xFFFFFFFF  }
0xc4: {  	_ =	task.clear_ibuf [dreg:s8], $0x2FFFF;
	_ =	strace $0x9FFFFFFF  }
0xc5: {  	(tm) =	ssettm $0x7FFFFFFF  }
tec
execute0_lowered:
.L_overlay_start_1:
0x0: {  	(tag) =	ssettag $0x1  }
0x1: {  	s1 =	rddreg [dreg:$0x0]  }
0x2: {  	s0 =	rddreg [dreg:$0x1]  }
0x3: {  	s3 =	rddreg [dreg:$0x2]  }
0x4: {  	s2 =	rddreg [dreg:$0x3];
	s4 =	simm.s32 $0x0  }
0x5: {  	s21 =	srdreg.scid;
	s6 =	stileid.u32;
	s15 =	simm.s32 $0x9  }
0x6: {  	[smem:$0x7FF] =	sst s4;
	s4 =	sand.u32 $0x1, s21;
	s7 =	smul.u32 $0x1380, s6  }
0x7: {  	s5 =	sadd.s32 $0x200, s0;
	s9 =	smul.u32 $0x27000, s6;
	s10 =	sadd.s32 $0x13E00, s0  }
0x8: {  	s0 =	sadd.s32 $0x13C00, s0;
	s30 =	sshll.u32 s6, $0xB;
	p1 =	sne.s32 s6, $0xF  }
0x9: {  	_ =	strace $0x80000047;
	[dreg:$0x8] =	wrdreg s10;
	s11 =	smul.u32 $0x9C400, s4  }
0xa: {  	s8 =	ssub.s32 $0x2, s4;
	[dreg:$0x9] =	wrdreg s0;
	s24 =	smul.u32 $0x13880, s4  }
0xb: {  	s25 =	smul.u32 $0x4E200, s4;
	[dreg:$0xf] =	wrdreg s30;
	s22 =	sshrl.u32 s8, $0x1  }
0xc: {  	s9 =	sshrl.u32 s9, $0x2;
	s23 =	ssub.s32 s8, s22;
	s11 =	sshrl.u32 s11, $0x3  }
0xd: {  	s7 =	sadd.s32 s7, s24;
	[dreg:$0xa] =	wrdreg s25;
	s29 =	sadd.s32 $0x2800, s25  }
0xe: {  	s26 =	sadd.s32 s3, s11;
	s3 =	sadd.s32 s3, s7;
	[dreg:$0xe] =	wrdreg s29  }
0xf: {  	s9 =	sadd.s32 s9, s2;
	s0 =	smax.u32 s23, $0x1;
	[dreg:$0xb] =	wrdreg s3  }
0x10: {  	p0 =	seq.s32 s4, $0x0;
	s8 =	sshrl.u32 s9, $0x3;
	[dreg:$0xd] =	wrdreg s0  }
0x11: {  	s11 =	sadd.s32 $0x9C000, s2;
	s28 =	sadd.s32 $0x13800, s26;
	[dreg:$0x10] =	wrdreg s8  }
0x12: {  	s0 =	simm.s32 @!p0 $0x0;
	s10 =	sshrl.u32 @!p1 s11, $0x3;
	[dreg:$0xc] =	wrdreg s28  }
0x13: {  	s31 =	sshll.u32 s6, $0x6;
	s0 =	simm.s32 @p0 $0x1;
	[dreg:$0x11] =	wrdreg s10  }
0x14: {  	s19 =	simm.s32 $0x0;
	s16 =	sor.u32 $0x1C09, s31;
	[smem:$0x7FD] =	sst s0  }
.LBB2_1:
0x15: {  	s0 =	simm.s32 $0x0;
	s3 =	rddreg [dreg:$0x9];
	s4 =	simm.s32 $0x10200  }
0x16: {  	[tilespmem:s4], [sflag:$0x9] =	stream.linear.gather [hbm4b:s3+s0], $0x80, $0x38;
	[tilespmem:$0x1A000] =	vst v63  }
0x17: {  	_ =	swait.ge [sflag:s15], $0x80  }
0x18: {  	[sflag:s15] =	ssyncset.done $0x0  }
0x19: {  	[sflag:s15] =	ssyncadd.s32 $0xFFFFFF80  }
0x1a: {  	v0 =	vld [tilespmem:$0x10200];
	_ =	sdelay $0x4  }
0x1b: {  	(v2sf) =	vpush v0, $0x0;
	_ =	sdelay $0xe  }
0x1c: {  	s4 =	simm.s32 $0x1;
	s26 =	sld [smem:$0x7FD];
	s22 =	spop (v2sf)  }
0x1d: {  	s23 =	sshra.s32 s22, $0x1F;
	s24 =	sand.u32 $0x7F, s22;
	p0 =	slt.s32 s22, $0x1  }
0x1e: {  	s0 =	sadd.s32 $0x7F, s22;
	s3 =	sshrl.u32 s23, $0x19;
	p2 =	sne.s32 s24, $0x0  }
0x1f: {  	s7 =	sand.u32 $0x7F, s0;
	s9 =	sshra.s32 s0, $0x1F;
	p5 =	slt.s32 s0, $0x1  }
0x20: {  	s3 =	sadd.s32 s3, s22;
	p0 =	por !p0, !p2;
	p3 =	sne.s32 s7, $0x0  }
0x21: {  	s25 =	sshrl.u32 s9, $0x19;
	s7 =	simm.s32 $0x1;
	s3 =	sshra.s32 s3, $0x7  }
0x22: {  	p0 =	por !p0, !p0;
	p6 =	por !p5, !p3;
	s0 =	sadd.s32 s25, s0  }
0x23: {  	s4 =	simm.s32 @!p0 $0x0;
	p0 =	por !p6, !p6;
	s0 =	sshra.s32 s0, $0x7  }
0x24: {  	s3 =	ssub.s32 s3, s4;
	s7 =	simm.s32 @!p0 $0x0;
	p0 =	seq.s32 s26, $0x1  }
0x25: {  	s4 =	stileid.u32;
	s3 =	simm.s32 @p0 $0x0;
	s20 =	ssub.s32 s0, s7  }
0x26: {  	s20 =	simm.s32 @!p0 $0x9C4;
	s21 =	sadd.s32 s4, s3  }
0x27: {  	p0 =	sle.s32 s20, s21  }
0x28: {  	s6 =	rddreg [dreg:$0xa];
	s0 =	sshll.u32 @!p0 s21, $0x7  }
0x29: {  	s0 =	sadd.s32 @!p0 s6, s0  }
0x2a: {  	s0 =	sshrl.u32 @!p0 s0, $0x3  }
0x2b: {  	s4 =	simm.s32 @!p0 $0x0;
	s7 =	simm.s32 @!p0 $0x10000;
	s0 =	sadd.s32 @!p0 s5, s0  }
0x2c: {  	[tilespmem:s7], [sflag:$0x1] =	stream.linear.gather @!p0 [hbm4b:s0+s4], $0x80, $0x38;
	[tilespmem:$0x1A000] =	vst v63  }
0x2d: {  	s0 =	sshll.u32 @!p0 s21, $0xB  }
0x2e: {  	s0 =	sand.u32 @!p0 $0x1FFFF800, s0  }
0x2f: {  	s0 =	sadd.s32 @!p0 s1, s0  }
0x30: {  	[tilespmem:s4], [sflag:$0x1] =	stream.linear.gather @!p0 [hbm4b:s0+s4], $0x4000, $0x38;
	[tilespmem:$0x1A000] =	vst v63  }
0x31: {  	s0 =	sadd.s32 $0x10, s21  }
0x32: {  	p0 =	sle.s32 s20, s0  }
0x33: {  	s4 =	sshll.u32 @!p0 s0, $0x7  }
0x34: {  	s4 =	sadd.s32 @!p0 s6, s4  }
0x35: {  	s4 =	sshrl.u32 @!p0 s4, $0x3  }
0x36: {  	s7 =	simm.s32 @!p0 $0x0;
	s9 =	simm.s32 @!p0 $0x10080;
	s4 =	sadd.s32 @!p0 s5, s4  }
0x37: {  	[tilespmem:s9], [sflag:$0x2] =	stream.linear.gather @!p0 [hbm4b:s4+s7], $0x80, $0x38;
	[tilespmem:$0x1A000] =	vst v63  }
0x38: {  	s4 =	sshll.u32 @!p0 s0, $0xB  }
0x39: {  	s4 =	sand.u32 @!p0 $0x1FFFF800, s4  }
0x3a: {  	s9 =	simm.s32 @!p0 $0x4000;
	s4 =	sadd.s32 @!p0 s1, s4  }
0x3b: {  	[tilespmem:s9], [sflag:$0x2] =	stream.linear.gather @!p0 [hbm4b:s4+s7], $0x4000, $0x38;
	[tilespmem:$0x1A000] =	vst v63  }
0x3c: {  	s4 =	rddreg [dreg:$0x8]  }
0x3d: {  	[spmem:s8], [sflag:s16] =	dma.local [hbm:s4], $0x1380  }
0x3e: {  	_ =	swait.ge [sflag:s15], $0x1380  }
0x3f: {  	[sflag:s15] =	ssyncset.done $0x0  }
0x40: {  	[sflag:s15] =	ssyncadd.s32 $0xFFFFEC80  }
0x41: {  	[spmem:s10], [sflag:s16] =	dma.local @!p1 [hbm:s4], $0x300  }
0x42: {  	s4 =	simm.s32 @!p1 $0x9  }
0x43: {  	_ =	swait.ge @!p1 [sflag:s4], $0x300  }
0x44: {  	[sflag:s4] =	ssyncset.done @!p1 $0x0  }
0x45: {  	s22 =	ssub.s32 s20, s21;
	[sflag:s4] =	ssyncadd.s32 @!p1 $0xFFFFFD00  }
0x46: {  	s6 =	sadd.s32 $0x20, s22;
	[bflag:$0x0] =	sbarrier.arrive $0xFFFF  }
0x47: {  	s14 =	sshll.u32 s3, $0xB;
	s7 =	sadd.s32 $0x10, s22;
	[dreg:$0x5] =	wrdreg s6  }
0x48: {  	s11 =	sshll.u32 s21, $0x7;
	s8 =	sadd.s32 $0x0, s21;
	[dreg:$0x6] =	wrdreg s7  }
0x49: {  	s0 =	ssub.s32 s20, s0;
	s12 =	sadd.s32 $0x20, s8;
	s13 =	rddreg [dreg:$0xe]  }
0x4a: {  	p0 =	por $0x1, $0x1;
	p2 =	sge.s32 s12, s20;
	s7 =	rddreg [dreg:$0x5]  }
0x4b: {  	[dreg:$0x7] =	wrdreg s0;
	s26 =	sadd.s32 s11, s13;
	p3 =	sle.s32 @!p0 s7, $0x0  }
0x4c: {  	s17 =	rddreg [dreg:$0xf];
	s7 =	sadd.s32 @!p2 $0xFFFFE800, s26;
	p3 =	por p3, p0  }
0x4d: {  	s3 =	sadd.s32 s14, s17;
	s0 =	sshrl.u32 @!p2 s7, $0x3;
	s7 =	simm.s32 @!p3 $0x7  }
0x4e: {  	p5 =	sle.s32 s22, $0x0;
	s9 =	sadd.s32 @!p2 $0x10000, s3;
	_ =	swait.ge @!p3 [sflag:s7], $0x4000  }
0x4f: {  	s29 =	simm.s32 @!p2 $0x10100;
	s9 =	sand.u32 @!p2 $0x1FFFF800, s9;
	[sflag:s7] =	ssyncset.done @!p3 $0x0  }
0x50: {  	s0 =	sadd.s32 @!p2 s5, s0;
	[sflag:s7] =	ssyncadd.s32 @!p3 $0xFFFFC000;
	s7 =	simm.s32 @!p2 $0x0  }
0x51: {  	[tilespmem:s29], [sflag:$0x3] =	stream.linear.gather @!p2 [hbm4b:s0+s7], $0x80, $0x38;
	[tilespmem:$0x1A000] =	vst v63  }
0x52: {  	s28 =	simm.s32 @!p2 $0x8000;
	s0 =	sadd.s32 @!p2 s1, s9;
	s9 =	simm.s32 @!p5 $0x1  }
0x53: {  	[tilespmem:s28], [sflag:$0x3] =	stream.linear.gather @!p2 [hbm4b:s0+s7], $0x4000, $0x38;
	[tilespmem:$0x1A000] =	vst v63  }
0x54: {  	_ =	swait.ge @!p5 [sflag:s9], $0x80  }
0x55: {  	[sflag:s9] =	ssyncset.done @!p5 $0x0  }
0x56: {  	[sflag:s9] =	ssyncadd.s32 @!p5 $0xFFFFFF80  }
0x57: {  	s18 =	sadd.s32 $0x30, s8;
	s10 =	simm.s32 @!p5 $0x10000;
	_ =	swait.ge @!p5 [sflag:s9], $0x4000  }
0x58: {  	s0 =	simm.s32 @!p5 $0x0;
	[sflag:s9] =	ssyncset.done @!p5 $0x0;
	s7 =	rddreg [dreg:$0x6]  }
0x59: {  	[sflag:s9] =	ssyncadd.s32 @!p5 $0xFFFFC000;
	s9 =	simm.s32 @!p5 $0x80;
	p4 =	sle.s32 @!p0 s7, $0x0  }
0x5a: {  	[spmem:s2] =	stream.indirect.scatter.add.f32 @!p5 [tilespmem:s0], [sflag:$0x5], $0x80, s10, s9, $0xb8;
	[tilespmem:$0x1A000] =	vst v63  }
0x5b: {  	p3 =	sge.s32 s18, s20;
	p0 =	por p4, p0  }
0x5c: {  	s11 =	simm.s32 @!p3 $0x0;
	s30 =	simm.s32 @!p3 $0x10180;
	s9 =	simm.s32 @!p0 $0x8  }
0x5d: {  	s7 =	sadd.s32 @!p3 $0x18000, s3;
	s0 =	sadd.s32 @!p3 $0xFFFFF000, s26;
	_ =	swait.ge @!p0 [sflag:s9], $0x4000  }
0x5e: {  	s7 =	sand.u32 @!p3 $0x1FFFF800, s7;
	s0 =	sshrl.u32 @!p3 s0, $0x3;
	[sflag:s9] =	ssyncset.done @!p0 $0x0  }
0x5f: {  	s0 =	sadd.s32 @!p3 s5, s0;
	s23 =	rddreg [dreg:$0x7];
	[sflag:s9] =	ssyncadd.s32 @!p0 $0xFFFFC000  }
0x60: {  	[tilespmem:s30], [sflag:$0x4] =	stream.linear.gather @!p3 [hbm4b:s0+s11], $0x80, $0x38;
	[tilespmem:$0x1A000] =	vst v63  }
0x61: {  	s7 =	sadd.s32 @!p3 s1, s7;
	p4 =	sle.s32 s23, $0x0;
	s0 =	simm.s32 @!p3 $0xC000  }
0x62: {  	[tilespmem:s0], [sflag:$0x4] =	stream.linear.gather @!p3 [hbm4b:s7+s11], $0x4000, $0x38;
	[tilespmem:$0x1A000] =	vst v63  }
0x63: {  	s7 =	simm.s32 @!p4 $0x2  }
0x64: {  	s31 =	simm.s32 $0x80;
	s25 =	simm.s32 $0x40;
	_ =	swait.ge @!p4 [sflag:s7], $0x80  }
0x65: {  	s24 =	sadd.s32 $0x40, s8;
	s4 =	sadd.s32 $0x50, s8;
	[sflag:s7] =	ssyncset.done @!p4 $0x0  }
0x66: {  	p6 =	sge.s32 s4, s20;
	p0 =	sge.s32 s24, s20;
	[sflag:s7] =	ssyncadd.s32 @!p4 $0xFFFFFF80  }
0x67: {  	s9 =	sadd.s32 @!p0 $0xFFFFF800, s26;
	s10 =	simm.s32 @!p4 $0x4000;
	_ =	swait.ge @!p4 [sflag:s7], $0x4000  }
0x68: {  	s14 =	simm.s32 @!p4 $0x10080;
	s9 =	sshrl.u32 @!p0 s9, $0x3;
	[sflag:s7] =	ssyncset.done @!p4 $0x0  }
0x69: {  	s11 =	simm.s32 @!p4 $0x80;
	[sflag:s7] =	ssyncadd.s32 @!p4 $0xFFFFC000;
	s7 =	simm.s32 @!p5 $0x5  }
0x6a: {  	[spmem:s2] =	stream.indirect.scatter.add.f32 @!p4 [tilespmem:s10], [sflag:$0x6], $0x80, s14, s11, $0xb8;
	[tilespmem:$0x1A000] =	vst v63  }
0x6b: {  	s24 =	sadd.s32 $0x2000, s26;
	s9 =	sadd.s32 @!p0 s5, s9;
	_ =	swait.ge @!p5 [sflag:s7], $0x4000  }
0x6c: {  	s10 =	sadd.s32 @!p0 $0x20000, s3;
	s11 =	simm.s32 @!p0 $0x0;
	[sflag:s7] =	ssyncset.done @!p5 $0x0  }
0x6d: {  	s14 =	simm.s32 @!p0 $0x10000;
	s10 =	sand.u32 @!p0 $0x1FFFF800, s10;
	[sflag:s7] =	ssyncadd.s32 @!p5 $0xFFFFC000  }
0x6e: {  	[tilespmem:s14], [sflag:$0x1] =	stream.linear.gather @!p0 [hbm4b:s9+s11], $0x80, $0x38;
	[tilespmem:$0x1A000] =	vst v63  }
0x6f: {  	s23 =	sadd.s32 $0x20000, s3;
	s7 =	simm.s32 @!p2 $0x3;
	s9 =	sadd.s32 @!p0 s1, s10  }
0x70: {  	[tilespmem:s11], [sflag:$0x1] =	stream.linear.gather @!p0 [hbm4b:s9+s11], $0x4000, $0x38;
	[tilespmem:$0x1A000] =	vst v63  }
0x71: {  	s3 =	sadd.s32 @!p6 $0x28000, s3;
	s10 =	simm.s32 @!p4 $0x6;
	_ =	swait.ge @!p2 [sflag:s7], $0x80  }
0x72: {  	s11 =	simm.s32 @!p2 $0x80;
	s9 =	simm.s32 @!p6 $0x0;
	[sflag:s7] =	ssyncset.done @!p2 $0x0  }
.LBB2_2:
0x73: {  	[sflag:s7] =	ssyncadd.s32 @!p2 $0xFFFFFF80  }
0x74: {  	s14 =	sand.u32 @!p6 $0x1FFFF800, s3;
	_ =	swait.ge @!p2 [sflag:s7], $0x4000  }
0x75: {  	s13 =	sadd.s32 @!p6 s1, s14;
	s14 =	sadd.s32 s25, s21;
	[sflag:s7] =	ssyncset.done @!p2 $0x0  }
0x76: {  	s17 =	sadd.s32 $0x20, s14;
	[sflag:s7] =	ssyncadd.s32 @!p2 $0xFFFFC000  }
0x77: {  	[spmem:s2] =	stream.indirect.scatter.add.f32 @!p2 [tilespmem:s28], [sflag:$0x7], $0x80, s29, s11, $0xb8;
	[tilespmem:$0x1A000] =	vst v63  }
0x78: {  	s12 =	sshrl.u32 @!p6 s26, $0x3;
	p2 =	sge.s32 s17, s20;
	_ =	swait.ge @!p4 [sflag:s10], $0x4000  }
0x79: {  	s8 =	simm.s32 @!p6 $0x10080;
	s11 =	sadd.s32 @!p2 $0xFFFFE800, s24;
	[sflag:s10] =	ssyncset.done @!p4 $0x0  }
0x7a: {  	s11 =	sshrl.u32 @!p2 s11, $0x3;
	[sflag:s10] =	ssyncadd.s32 @!p4 $0xFFFFC000;
	s10 =	sadd.s32 @!p6 s5, s12  }
0x7b: {  	[tilespmem:s8], [sflag:$0x2] =	stream.linear.gather @!p6 [hbm4b:s10+s9], $0x80, $0x38;
	[tilespmem:$0x1A000] =	vst v63  }
0x7c: {  	s6 =	simm.s32 @!p6 $0x4000;
	s8 =	sadd.s32 @!p2 s5, s11;
	s11 =	simm.s32 @!p3 $0x4  }
0x7d: {  	[tilespmem:s6], [sflag:$0x2] =	stream.linear.gather @!p6 [hbm4b:s13+s9], $0x4000, $0x38;
	[tilespmem:$0x1A000] =	vst v63  }
0x7e: {  	_ =	swait.ge @!p3 [sflag:s11], $0x80  }
0x7f: {  	[sflag:s11] =	ssyncset.done @!p3 $0x0  }
0x80: {  	[sflag:s11] =	ssyncadd.s32 @!p3 $0xFFFFFF80  }
0x81: {  	p4 =	seq.s32 s25, $0x0;
	s10 =	sadd.s32 @!p2 $0x10000, s23;
	_ =	swait.ge @!p3 [sflag:s11], $0x4000  }
0x82: {  	s6 =	sand.u32 @!p2 $0x1FFFF800, s10;
	s9 =	rddreg [dreg:$0x5];
	[sflag:s11] =	ssyncset.done @!p3 $0x0  }
0x83: {  	s10 =	simm.s32 @!p3 $0x80;
	[sflag:s11] =	ssyncadd.s32 @!p3 $0xFFFFC000;
	p0 =	sge.s32 @!p4 s25, s9  }
0x84: {  	[spmem:s2] =	stream.indirect.scatter.add.f32 @!p3 [tilespmem:s0], [sflag:$0x8], $0x80, s30, s10, $0xb8;
	[tilespmem:$0x1A000] =	vst v63  }
0x85: {  	p0 =	por p0, p4  }
0x86: {  	s0 =	simm.s32 @!p0 $0x7  }
0x87: {  	_ =	swait.ge @!p0 [sflag:s0], $0x4000  }
0x88: {  	s18 =	sadd.s32 $0x30, s14;
	s29 =	simm.s32 @!p2 $0x10100;
	[sflag:s0] =	ssyncset.done @!p0 $0x0  }
0x89: {  	p6 =	sge.s32 s25, s22;
	[sflag:s0] =	ssyncadd.s32 @!p0 $0xFFFFC000;
	s0 =	simm.s32 @!p2 $0x0  }
0x8a: {  	[tilespmem:s29], [sflag:$0x3] =	stream.linear.gather @!p2 [hbm4b:s8+s0], $0x80, $0x38;
	[tilespmem:$0x1A000] =	vst v63  }
0x8b: {  	s28 =	simm.s32 @!p2 $0x8000;
	s6 =	sadd.s32 @!p2 s1, s6;
	s8 =	simm.s32 @!p6 $0x1  }
0x8c: {  	[tilespmem:s28], [sflag:$0x3] =	stream.linear.gather @!p2 [hbm4b:s6+s0], $0x4000, $0x38;
	[tilespmem:$0x1A000] =	vst v63  }
0x8d: {  	p3 =	sge.s32 s18, s20;
	_ =	swait.ge @!p6 [sflag:s8], $0x80  }
0x8e: {  	s11 =	simm.s32 @!p6 $0x10000;
	s9 =	sadd.s32 @!p3 $0xFFFFF000, s24;
	[sflag:s8] =	ssyncset.done @!p6 $0x0  }
0x8f: {  	s10 =	sadd.s32 @!p3 $0x18000, s23;
	s0 =	sshrl.u32 @!p3 s9, $0x3;
	[sflag:s8] =	ssyncadd.s32 @!p6 $0xFFFFFF80  }
0x90: {  	s6 =	sand.u32 @!p3 $0x1FFFF800, s10;
	s9 =	sadd.s32 @!p3 s5, s0;
	_ =	swait.ge @!p6 [sflag:s8], $0x4000  }
0x91: {  	s0 =	simm.s32 @!p6 $0x0;
	[sflag:s8] =	ssyncset.done @!p6 $0x0;
	s10 =	rddreg [dreg:$0x6]  }
0x92: {  	[sflag:s8] =	ssyncadd.s32 @!p6 $0xFFFFC000;
	s8 =	simm.s32 @!p6 $0x80;
	p0 =	sge.s32 @!p4 s25, s10  }
0x93: {  	[spmem:s2] =	stream.indirect.scatter.add.f32 @!p6 [tilespmem:s0], [sflag:$0x5], $0x80, s11, s8, $0xb8;
	[tilespmem:$0x1A000] =	vst v63  }
0x94: {  	p0 =	por p0, p4  }
0x95: {  	s0 =	simm.s32 @!p0 $0x8  }
0x96: {  	s3 =	smov.u32 s31;
	s30 =	simm.s32 @!p3 $0x10180;
	_ =	swait.ge @!p0 [sflag:s0], $0x4000  }
0x97: {  	s6 =	sadd.s32 @!p3 s1, s6;
	[sflag:s0] =	ssyncset.done @!p0 $0x0;
	s18 =	rddreg [dreg:$0x7]  }
0x98: {  	s8 =	simm.s32 @!p3 $0x0;
	[sflag:s0] =	ssyncadd.s32 @!p0 $0xFFFFC000;
	p4 =	sge.s32 s25, s18  }
0x99: {  	[tilespmem:s30], [sflag:$0x4] =	stream.linear.gather @!p3 [hbm4b:s9+s8], $0x80, $0x38;
	[tilespmem:$0x1A000] =	vst v63  }
0x9a: {  	s0 =	simm.s32 @!p3 $0xC000;
	s25 =	smov.u32 s3;
	s3 =	simm.s32 @!p4 $0x2  }
0x9b: {  	[tilespmem:s0], [sflag:$0x4] =	stream.linear.gather @!p3 [hbm4b:s6+s8], $0x4000, $0x38;
	[tilespmem:$0x1A000] =	vst v63  }
0x9c: {  	s26 =	smov.u32 s24;
	s17 =	sadd.s32 $0x40, s14;
	_ =	swait.ge @!p4 [sflag:s3], $0x80  }
0x9d: {  	s4 =	smov.u32 s23;
	p0 =	sge.s32 s17, s20;
	[sflag:s3] =	ssyncset.done @!p4 $0x0  }
0x9e: {  	s7 =	sadd.s32 @!p0 $0x20000, s23;
	s10 =	simm.s32 @!p4 $0x10080;
	[sflag:s3] =	ssyncadd.s32 @!p4 $0xFFFFFF80  }
0x9f: {  	s7 =	sand.u32 @!p0 $0x1FFFF800, s7;
	s6 =	sadd.s32 @!p0 $0xFFFFF800, s24;
	_ =	swait.ge @!p4 [sflag:s3], $0x4000  }
0xa0: {  	s8 =	simm.s32 @!p4 $0x4000;
	s9 =	sadd.s32 @!p0 s1, s7;
	[sflag:s3] =	ssyncset.done @!p4 $0x0  }
0xa1: {  	s7 =	simm.s32 @!p4 $0x80;
	[sflag:s3] =	ssyncadd.s32 @!p4 $0xFFFFC000;
	s3 =	simm.s32 @!p6 $0x5  }
0xa2: {  	[spmem:s2] =	stream.indirect.scatter.add.f32 @!p4 [tilespmem:s8], [sflag:$0x6], $0x80, s10, s7, $0xb8;
	[tilespmem:$0x1A000] =	vst v63  }
0xa3: {  	s31 =	sadd.s32 $0x40, s31;
	s6 =	sshrl.u32 @!p0 s6, $0x3;
	_ =	swait.ge @!p6 [sflag:s3], $0x4000  }
0xa4: {  	p5 =	sne.s32 s31, $0xA00;
	s6 =	sadd.s32 @!p0 s5, s6;
	[sflag:s3] =	ssyncset.done @!p6 $0x0  }
0xa5: {  	s8 =	simm.s32 @!p0 $0x0;
	s10 =	simm.s32 @!p0 $0x10000;
	[sflag:s3] =	ssyncadd.s32 @!p6 $0xFFFFC000  }
0xa6: {  	[tilespmem:s10], [sflag:$0x1] =	stream.linear.gather @!p0 [hbm4b:s6+s8], $0x80, $0x38;
	[tilespmem:$0x1A000] =	vst v63  }
.Ltmp0:
0xa7: {  	s14 =	sadd.s32 $0x50, s14;
	s11 =	simm.s32 @!p2 $0x80;
	(pc) =	sbr.rel @p5 .LBB2_2-.Ltmp0, $4  }
0xa8: {  	s23 =	sadd.s32 $0x20000, s23;
	s24 =	sadd.s32 $0x2000, s24;
	s7 =	simm.s32 @!p2 $0x3  }
0xa9: {  	[tilespmem:s8], [sflag:$0x1] =	stream.linear.gather @!p0 [hbm4b:s9+s8], $0x4000, $0x38;
	[tilespmem:$0x1A000] =	vst v63  }
0xaa: {  	p6 =	sge.s32 s14, s20;
	s10 =	simm.s32 @!p4 $0x6;
	_ =	swait.ge @!p2 [sflag:s7], $0x80  }
0xab: {  	s3 =	sadd.s32 @!p6 $0x28000, s4;
	s9 =	simm.s32 @!p6 $0x0;
	[sflag:s7] =	ssyncset.done @!p2 $0x0  }
0xac: {  	[sflag:s7] =	ssyncadd.s32 @!p2 $0xFFFFFF80  }
0xad: {  	_ =	swait.ge @!p2 [sflag:s7], $0x4000  }
0xae: {  	[sflag:s7] =	ssyncset.done @!p2 $0x0  }
0xaf: {  	[sflag:s7] =	ssyncadd.s32 @!p2 $0xFFFFC000  }
0xb0: {  	[spmem:s2] =	stream.indirect.scatter.add.f32 @!p2 [tilespmem:s28], [sflag:$0x7], $0x80, s29, s11, $0xb8;
	[tilespmem:$0x1A000] =	vst v63  }
0xb1: {  	_ =	swait.ge @!p4 [sflag:s10], $0x4000  }
0xb2: {  	s4 =	sshrl.u32 @!p6 s26, $0x3;
	s6 =	simm.s32 @!p6 $0x10080;
	[sflag:s10] =	ssyncset.done @!p4 $0x0  }
0xb3: {  	s3 =	sand.u32 @!p6 $0x1FFFF800, s3;
	s4 =	sadd.s32 @!p6 s5, s4;
	[sflag:s10] =	ssyncadd.s32 @!p4 $0xFFFFC000  }
0xb4: {  	[tilespmem:s6], [sflag:$0x2] =	stream.linear.gather @!p6 [hbm4b:s4+s9], $0x80, $0x38;
	[tilespmem:$0x1A000] =	vst v63  }
0xb5: {  	s3 =	sadd.s32 @!p6 s1, s3;
	s4 =	simm.s32 @!p6 $0x4000  }
0xb6: {  	[tilespmem:s4], [sflag:$0x2] =	stream.linear.gather @!p6 [hbm4b:s3+s9], $0x4000, $0x38;
	[tilespmem:$0x1A000] =	vst v63  }
0xb7: {  	s4 =	simm.s32 @!p3 $0x4  }
0xb8: {  	_ =	swait.ge @!p3 [sflag:s4], $0x80  }
0xb9: {  	[sflag:s4] =	ssyncset.done @!p3 $0x0  }
0xba: {  	[sflag:s4] =	ssyncadd.s32 @!p3 $0xFFFFFF80  }
0xbb: {  	_ =	swait.ge @!p3 [sflag:s4], $0x4000  }
0xbc: {  	s18 =	sadd.s32 s25, s21;
	p0 =	seq.s32 s25, $0x0;
	[sflag:s4] =	ssyncset.done @!p3 $0x0  }
0xbd: {  	s7 =	rddreg [dreg:$0x5];
	[sflag:s4] =	ssyncadd.s32 @!p3 $0xFFFFC000;
	s4 =	simm.s32 @!p3 $0x80  }
0xbe: {  	[spmem:s2] =	stream.indirect.scatter.add.f32 @!p3 [tilespmem:s0], [sflag:$0x8], $0x80, s30, s4, $0xb8;
	[tilespmem:$0x1A000] =	vst v63  }
0xbf: {  	s21 =	sadd.s32 $0x20, s18;
	p3 =	sge.s32 @!p0 s25, s7  }
0xc0: {  	p2 =	sge.s32 s21, s20;
	p3 =	por p3, p0  }
0xc1: {  	s8 =	simm.s32 @!p2 $0x0;
	s0 =	sadd.s32 @!p2 $0xFFFFE800, s24;
	s4 =	simm.s32 @!p3 $0x7  }
0xc2: {  	p4 =	sge.s32 s25, s22;
	s0 =	sshrl.u32 @!p2 s0, $0x3;
	_ =	swait.ge @!p3 [sflag:s4], $0x4000  }
0xc3: {  	s6 =	sadd.s32 @!p2 s5, s0;
	s0 =	sadd.s32 @!p2 $0x10000, s23;
	[sflag:s4] =	ssyncset.done @!p3 $0x0  }
0xc4: {  	s7 =	sand.u32 @!p2 $0x1FFFF800, s0;
	s0 =	simm.s32 @!p2 $0x10100;
	[sflag:s4] =	ssyncadd.s32 @!p3 $0xFFFFC000  }
0xc5: {  	[tilespmem:s0], [sflag:$0x3] =	stream.linear.gather @!p2 [hbm4b:s6+s8], $0x80, $0x38;
	[tilespmem:$0x1A000] =	vst v63  }
0xc6: {  	s4 =	simm.s32 @!p2 $0x8000;
	s6 =	sadd.s32 @!p2 s1, s7;
	s7 =	simm.s32 @!p4 $0x1  }
0xc7: {  	[tilespmem:s4], [sflag:$0x3] =	stream.linear.gather @!p2 [hbm4b:s6+s8], $0x4000, $0x38;
	[tilespmem:$0x1A000] =	vst v63  }
0xc8: {  	_ =	swait.ge @!p4 [sflag:s7], $0x80  }
0xc9: {  	[sflag:s7] =	ssyncset.done @!p4 $0x0  }
0xca: {  	[sflag:s7] =	ssyncadd.s32 @!p4 $0xFFFFFF80  }
0xcb: {  	s9 =	simm.s32 @!p4 $0x10000;
	_ =	swait.ge @!p4 [sflag:s7], $0x4000  }
0xcc: {  	s6 =	simm.s32 @!p4 $0x0;
	[sflag:s7] =	ssyncset.done @!p4 $0x0;
	s8 =	rddreg [dreg:$0x6]  }
0xcd: {  	[sflag:s7] =	ssyncadd.s32 @!p4 $0xFFFFC000;
	s7 =	simm.s32 @!p4 $0x80;
	p5 =	sge.s32 @!p0 s25, s8  }
0xce: {  	[spmem:s2] =	stream.indirect.scatter.add.f32 @!p4 [tilespmem:s6], [sflag:$0x5], $0x80, s9, s7, $0xb8;
	[tilespmem:$0x1A000] =	vst v63  }
0xcf: {  	s22 =	sadd.s32 $0x30, s18;
	p0 =	por p5, p0  }
0xd0: {  	p3 =	sge.s32 s22, s20;
	s8 =	simm.s32 @!p0 $0x8  }
0xd1: {  	s6 =	sadd.s32 @!p3 $0xFFFFF000, s24;
	_ =	swait.ge @!p0 [sflag:s8], $0x4000  }
0xd2: {  	s9 =	simm.s32 @!p3 $0x0;
	s6 =	sshrl.u32 @!p3 s6, $0x3;
	[sflag:s8] =	ssyncset.done @!p0 $0x0  }
0xd3: {  	s7 =	simm.s32 @!p3 $0x10180;
	s6 =	sadd.s32 @!p3 s5, s6;
	[sflag:s8] =	ssyncadd.s32 @!p0 $0xFFFFC000  }
0xd4: {  	[tilespmem:s7], [sflag:$0x4] =	stream.linear.gather @!p3 [hbm4b:s6+s9], $0x80, $0x38;
	[tilespmem:$0x1A000] =	vst v63  }
0xd5: {  	s6 =	sadd.s32 @!p3 $0x18000, s23  }
0xd6: {  	s26 =	rddreg [dreg:$0x7];
	s6 =	sand.u32 @!p3 $0x1FFFF800, s6  }
0xd7: {  	p5 =	sge.s32 s25, s26;
	s8 =	simm.s32 @!p3 $0xC000;
	s6 =	sadd.s32 @!p3 s1, s6  }
0xd8: {  	[tilespmem:s8], [sflag:$0x4] =	stream.linear.gather @!p3 [hbm4b:s6+s9], $0x4000, $0x38;
	[tilespmem:$0x1A000] =	vst v63  }
0xd9: {  	s6 =	simm.s32 @!p5 $0x2  }
0xda: {  	_ =	swait.ge @!p5 [sflag:s6], $0x80  }
0xdb: {  	[sflag:s6] =	ssyncset.done @!p5 $0x0  }
0xdc: {  	[sflag:s6] =	ssyncadd.s32 @!p5 $0xFFFFFF80  }
0xdd: {  	_ =	swait.ge @!p5 [sflag:s6], $0x4000  }
0xde: {  	s28 =	sadd.s32 $0x40, s18;
	s10 =	simm.s32 @!p5 $0x80;
	[sflag:s6] =	ssyncset.done @!p5 $0x0  }
0xdf: {  	s9 =	simm.s32 @!p5 $0x4000;
	[sflag:s6] =	ssyncadd.s32 @!p5 $0xFFFFC000;
	s6 =	simm.s32 @!p5 $0x10080  }
0xe0: {  	[spmem:s2] =	stream.indirect.scatter.add.f32 @!p5 [tilespmem:s9], [sflag:$0x6], $0x80, s6, s10, $0xb8;
	[tilespmem:$0x1A000] =	vst v63  }
0xe1: {  	p0 =	sge.s32 s28, s20;
	s9 =	simm.s32 @!p4 $0x5  }
0xe2: {  	s6 =	sadd.s32 @!p0 $0xFFFFF800, s24;
	_ =	swait.ge @!p4 [sflag:s9], $0x4000  }
0xe3: {  	s10 =	simm.s32 @!p0 $0x0;
	s6 =	sshrl.u32 @!p0 s6, $0x3;
	[sflag:s9] =	ssyncset.done @!p4 $0x0  }
0xe4: {  	s6 =	sadd.s32 @!p0 s5, s6;
	[sflag:s9] =	ssyncadd.s32 @!p4 $0xFFFFC000;
	s9 =	simm.s32 @!p0 $0x10000  }
0xe5: {  	[tilespmem:s9], [sflag:$0x1] =	stream.linear.gather @!p0 [hbm4b:s6+s10], $0x80, $0x38;
	[tilespmem:$0x1A000] =	vst v63  }
0xe6: {  	s6 =	sadd.s32 @!p0 $0x20000, s23  }
0xe7: {  	s6 =	sand.u32 @!p0 $0x1FFFF800, s6  }
0xe8: {  	s6 =	sadd.s32 @!p0 s1, s6  }
0xe9: {  	[tilespmem:s10], [sflag:$0x1] =	stream.linear.gather @!p0 [hbm4b:s6+s10], $0x4000, $0x38;
	[tilespmem:$0x1A000] =	vst v63  }
0xea: {  	s6 =	simm.s32 @!p2 $0x3  }
0xeb: {  	_ =	swait.ge @!p2 [sflag:s6], $0x80  }
0xec: {  	[sflag:s6] =	ssyncset.done @!p2 $0x0  }
0xed: {  	[sflag:s6] =	ssyncadd.s32 @!p2 $0xFFFFFF80  }
0xee: {  	_ =	swait.ge @!p2 [sflag:s6], $0x4000  }
0xef: {  	s29 =	sadd.s32 $0x50, s18;
	[sflag:s6] =	ssyncset.done @!p2 $0x0  }
0xf0: {  	s3 =	simm.s32 @!p5 $0x6;
	[sflag:s6] =	ssyncadd.s32 @!p2 $0xFFFFC000;
	s6 =	simm.s32 @!p2 $0x80  }
0xf1: {  	[spmem:s2] =	stream.indirect.scatter.add.f32 @!p2 [tilespmem:s4], [sflag:$0x7], $0x80, s0, s6, $0xb8;
	[tilespmem:$0x1A000] =	vst v63  }
0xf2: {  	p0 =	sge.s32 s29, s20;
	_ =	swait.ge @!p5 [sflag:s3], $0x4000  }
0xf3: {  	s0 =	simm.s32 @!p0 $0x0;
	s4 =	sshrl.u32 @!p0 s24, $0x3;
	[sflag:s3] =	ssyncset.done @!p5 $0x0  }
0xf4: {  	s4 =	sadd.s32 @!p0 s5, s4;
	[sflag:s3] =	ssyncadd.s32 @!p5 $0xFFFFC000;
	s3 =	simm.s32 @!p0 $0x10080  }
0xf5: {  	[tilespmem:s3], [sflag:$0x2] =	stream.linear.gather @!p0 [hbm4b:s4+s0], $0x80, $0x38;
	[tilespmem:$0x1A000] =	vst v63  }
0xf6: {  	s3 =	sadd.s32 @!p0 $0x28000, s23  }
0xf7: {  	s3 =	sand.u32 @!p0 $0x1FFFF800, s3  }
0xf8: {  	s4 =	simm.s32 @!p0 $0x4000;
	s3 =	sadd.s32 @!p0 s1, s3  }
0xf9: {  	[tilespmem:s4], [sflag:$0x2] =	stream.linear.gather @!p0 [hbm4b:s3+s0], $0x4000, $0x38;
	[tilespmem:$0x1A000] =	vst v63  }
0xfa: {  	s0 =	simm.s32 @!p3 $0x4  }
0xfb: {  	_ =	swait.ge @!p3 [sflag:s0], $0x80  }
0xfc: {  	[sflag:s0] =	ssyncset.done @!p3 $0x0  }
0xfd: {  	[sflag:s0] =	ssyncadd.s32 @!p3 $0xFFFFFF80  }
0xfe: {  	_ =	swait.ge @!p3 [sflag:s0], $0x4000  }
0xff: {  	[sflag:s0] =	ssyncset.done @!p3 $0x0  }
0x100: {  	[sflag:s0] =	ssyncadd.s32 @!p3 $0xFFFFC000;
	s0 =	simm.s32 @!p3 $0x80  }
0x101: {  	[spmem:s2] =	stream.indirect.scatter.add.f32 @!p3 [tilespmem:s8], [sflag:$0x8], $0x80, s7, s0, $0xb8;
	[tilespmem:$0x1A000] =	vst v63  }
0x102: {  	[bflag:$0x0] =	sbarrier.arrive $0xFFFF  }
0x103: {  	s30 =	rddreg [dreg:$0xb]  }
0x104: {  	s8 =	rddreg [dreg:$0x10]  }
0x105: {  	[hbm:s30], [sflag:s16] =	dma.local [spmem:s8], $0x1380  }
0x106: {  	_ =	swait.ge [sflag:s15], $0x1380  }
0x107: {  	[sflag:s15] =	ssyncset.done $0x0;
	s0 =	rddreg [dreg:$0xc]  }
0x108: {  	s10 =	rddreg [dreg:$0x11];
	[sflag:s15] =	ssyncadd.s32 $0xFFFFEC80  }
0x109: {  	[hbm:s0], [sflag:s16] =	dma.local @!p1 [spmem:s10], $0x80  }
0x10a: {  	s0 =	simm.s32 @!p1 $0x9  }
0x10b: {  	_ =	swait.ge @!p1 [sflag:s0], $0x80  }
0x10c: {  	s19 =	sadd.s32 $0x1, s19;
	s31 =	rddreg [dreg:$0xd]  }
0x10d: {  	p0 =	sne.s32 s19, s31  }
.Ltmp1:
0x10e: {  	_ = 	snop;
	(pc) =	sbr.rel @p0 .LBB2_1-.Ltmp1, $3  }
0x10f: {  	_ =	sdelay $0x1  }
0x110: {  	[sflag:s0] =	ssyncset.done @!p1 $0x0  }
0x111: {  	[sflag:s0] =	ssyncadd.s32 @!p1 $0xFFFFFF80  }
0x112: {  	_ =	sfence.sel $0x180000  }
0x113: {  	[bflag:$0x0] =	sbarrier.arrive $0xFFFF  }
0x114: {  	_ =	strace $0x90000047  }
0x115: {  	s0 =	stileid.u32;
	[bflag:$0x2] =	sbarrier.arrive $0xFFFF  }
0x116: {  	p0 =	sne.s32 s0, $0x0;
	s0 =	rddreg [dreg:$0x4]  }
0x117: {  	s0 =	sadd.s32 @!p0 $0x100000, s0  }
0x118: {  	[sflag:s0] =	ssyncadd.tile.s32 @!p0 $0x1;
	_ =	shalt  }
.Lfunc_end2:
_tile_overlayer_lowered:
.L_overlay_start_2:
0x119: {  	(tag) =	ssettag $0x2  }
0x11a: {  	s0 =	rddreg [dreg:$0x0];
	s2 =	stileid.u32  }
0x11b: {  	s1 =	rddreg [dreg:$0x1];
	p0 =	sne.s32 s2, $0x0  }
0x11c: {  	s3 =	rddreg [dreg:$0x2];
	[bflag:$0x3] =	sbarrier.arrive $0xFFFF;
	s2 =	simm.s32 @!p0 $0x1C09  }
0x11d: {  	[timem:s3], [sflag:s2] =	dma.local @!p0 [hbm:s0], s1  }
0x11e: {  	s0 =	simm.s32 @!p0 $0x9  }
0x11f: {  	_ =	swait.ge @!p0 [sflag:s0], s1  }
0x120: {  	s1 =	ssub.s32 @!p0 $0x0, s1;
	[sflag:s0] =	ssyncset.done @!p0 $0x0  }
0x121: {  	[sflag:s0] =	ssyncadd.s32 @!p0 s1  }
0x122: {  	[bflag:$0x3] =	sbarrier.arrive $0xFFFF  }
0x123: {  	_ =	shalt  }

</sc_bundles>
